<compile_context>
chip_gen: v7x
topology: tpu7x:2x2x1
jax: 0.10.2.dev20260603
libtpu: 0.0.44.dev20260713+nightly
codegen_flags: <defaults>
</compile_context>

<pallas_src>
import functools

import jax
import jax.numpy as jnp
from jax import lax
from jax.experimental import pallas as pl
from jax.experimental.pallas import tpu as pltpu
from jax.experimental.pallas import tpu_sc as plsc

_NUM_ELEMENTS = 119
_FEAT_DIM = 92
_D_MODEL = 256
_N_ATOMS = 100000

_VPAD = 128
_FPAD = 128

_NC = 2
_NS = 16
_NW = _NC * _NS
_L = 16

_CHUNK = 80
_NUM_CHUNKS = _N_ATOMS // _CHUNK
_NBUF = 2
_NI = -(-_NUM_CHUNKS // _NW)


def _fuse_body(t_ref, w_ref, b_ref, o_ref):
    o_ref[...] = (
        jnp.dot(t_ref[...], w_ref[...], preferred_element_type=jnp.float32)
        + b_ref[...]
    )


def _fused_table(table, W, b):
    tp = jnp.zeros((_VPAD, _FPAD), jnp.float32).at[:_NUM_ELEMENTS, :_FEAT_DIM].set(table)
    wp = jnp.zeros((_FPAD, _D_MODEL), jnp.float32).at[:_FEAT_DIM].set(W)
    return pl.pallas_call(
        _fuse_body,
        out_shape=jax.ShapeDtypeStruct((_VPAD, _D_MODEL), jnp.float32),
    )(tp, wp, b.reshape(1, _D_MODEL))


_mesh = plsc.VectorSubcoreMesh(
    core_axis_name="c", subcore_axis_name="s", num_cores=_NC, num_subcores=_NS
)


@functools.partial(
    pl.kernel,
    out_type=jax.ShapeDtypeStruct((_N_ATOMS * _D_MODEL,), jnp.float32),
    mesh=_mesh,
    compiler_params=pltpu.CompilerParams(needs_layout_passes=False),
    scratch_types=[
        pltpu.SMEM((_NBUF, _CHUNK), jnp.int32),
        pltpu.VMEM((_CHUNK * _D_MODEL,), jnp.float32),
        pltpu.VMEM((_CHUNK * _D_MODEL,), jnp.float32),
        pltpu.VMEM((_VPAD * _D_MODEL,), jnp.float32),
        pltpu.VMEM_SHARED((_N_ATOMS,), jnp.int32),
        pltpu.VMEM_SHARED((_VPAD * _D_MODEL,), jnp.float32),
        pltpu.VMEM((6256,), jnp.int32),
    ]
    + [pltpu.SemaphoreType.DMA] * (2 * _NBUF),
)
def _gather(x_hbm, fused_hbm, out_hbm, idx_v, rows0_v, rows1_v, fused_v, x_sh, fused_sh, xtmp_v, *sems):
    rows_bufs = (rows0_v, rows1_v)
    isems = sems[0:_NBUF]
    wsems = sems[_NBUF : 2 * _NBUF]
    wid = lax.axis_index("s") * _NC + lax.axis_index("c")

    sid = lax.axis_index("s")
    _XS = 6256
    _XL = _N_ATOMS - 15 * _XS

    @pl.when(sid == 0)
    def _stage_fused_sh():
        pltpu.sync_copy(fused_hbm, fused_sh)

    @pl.when(sid < 15)
    def _stage_x_head():
        base = sid * _XS
        pltpu.sync_copy(x_hbm.at[pl.ds(base, _XS)], xtmp_v)
        pltpu.sync_copy(xtmp_v, x_sh.at[pl.ds(base, _XS)])

    @pl.when(sid == 15)
    def _stage_x_tail():
        pltpu.sync_copy(x_hbm.at[pl.ds(15 * _XS, _XL)], xtmp_v.at[pl.ds(0, _XL)])
        pltpu.sync_copy(xtmp_v.at[pl.ds(0, _XL)], x_sh.at[pl.ds(15 * _XS, _XL)])

    plsc.subcore_barrier()
    pltpu.sync_copy(fused_sh, fused_v)
    plsc.subcore_barrier()

    def cid(i):
        return wid + i * _NW

    def start_idx(i, p):
        pltpu.async_copy(
            x_sh.at[pl.ds(cid(i) * _CHUNK, _CHUNK)], idx_v.at[p], isems[p]
        )

    def compute_chunk(p):
        rows_flat = rows_bufs[p]

        @plsc.parallel_loop(0, _CHUNK, unroll=2)
        def row(r):
            src0 = idx_v[p, r] * _D_MODEL
            dst0 = r * _D_MODEL
            vals = [
                fused_v[pl.ds(src0 + c * _L, _L)]
                for c in range(_D_MODEL // _L)
            ]
            for c in range(_D_MODEL // _L):
                rows_flat[pl.ds(dst0 + c * _L, _L)] = vals[c]

    for p in range(_NBUF):
        start_idx(p, p)

    def body(k, carry):
        for p in range(_NBUF):
            i = _NBUF * k + p

            @pl.when(cid(i) < _NUM_CHUNKS)
            def _process():
                pltpu.make_async_copy(
                    x_sh.at[pl.ds(0, _CHUNK)], idx_v.at[p], isems[p]
                ).wait()

                @pl.when(k >= 1)
                def _drain_prev():
                    pltpu.make_async_copy(
                        rows_bufs[p], out_hbm.at[pl.ds(0, _CHUNK * _D_MODEL)],
                        wsems[p],
                    ).wait()

                compute_chunk(p)

                pltpu.async_copy(
                    rows_bufs[p],
                    out_hbm.at[pl.ds(cid(i) * (_CHUNK * _D_MODEL), _CHUNK * _D_MODEL)],
                    wsems[p],
                )

                @pl.when(cid(i + _NBUF) < _NUM_CHUNKS)
                def _prefetch():
                    start_idx(i + _NBUF, p)

        return carry

    lax.fori_loop(0, _NI // _NBUF, body, 0)

    for p in range(_NBUF):
        pltpu.make_async_copy(
            rows_bufs[p], out_hbm.at[pl.ds(0, _CHUNK * _D_MODEL)], wsems[p]
        ).wait()


def kernel(x, table, W, b):
    fused = _fused_table(table, W, b)
    out_flat = _gather(x, fused.reshape(_VPAD * _D_MODEL))
    return out_flat.reshape(_N_ATOMS, _D_MODEL)

# --- scband reference (transcript-rebuilt; emitter-appended) ---
"""Pipeline reference for scband-attribute-embedding-52123723104466 (READ-ONLY COPY).

The authoritative reference and input builder live on the scoring server;
editing this copy changes nothing except your own understanding.
"""

import jax, jax.numpy as jnp
import numpy as np

NUM_ELEMENTS = 119   # 1 + max atomic number Z
FEAT_DIM = 92        # cgcnn one-hot attribute feature length
D_MODEL = 256
N_ATOMS = 100000


def setup_inputs(seed: int = 0) -> dict:
    key = jax.random.key(seed)
    k1, k2, k3 = jax.random.split(key, 3)
    # atomic numbers for each atom (indices into the attribute lookup table)
    x = jax.random.randint(k1, (N_ATOMS,), 0, NUM_ELEMENTS, dtype=jnp.int32)
    # frozen attribute lookup table (stand-in for the cgcnn chemical features,
    # requires_grad=False in the original module)
    table = jax.random.normal(k2, (NUM_ELEMENTS, FEAT_DIM), dtype=jnp.float32)
    # learned linear projection: Linear(FEAT_DIM -> D_MODEL)
    W = jax.random.normal(k3, (FEAT_DIM, D_MODEL), dtype=jnp.float32) * 0.05
    b = jnp.zeros((D_MODEL,), dtype=jnp.float32)
    return {"x": x, "table": table, "W": W, "b": b}


def reference(x, table, W, b):
    # nn.Embedding lookup: gather rows of the frozen attribute table
    emb = jnp.take(table, x, axis=0)          # [N_ATOMS, FEAT_DIM]
    # nn.Linear projection to d_model
    out = emb @ W + b                          # [N_ATOMS, D_MODEL]
    return out

if __name__ == "__main__":
    import jax
    _d = setup_inputs()
    print(jax.jit(kernel)(*tuple(_d.values())))

</pallas_src>

<mosaic_0001>
#map = affine_map<(d0, d1) -> (0)>
module attributes {stable_mosaic.version = 14 : i64} {
  func.func @_gather(%arg0: i32, %arg1: i32, %arg2: memref<100000xi32, #tpu.memory_space<hbm>>, %arg3: memref<32768xf32, #tpu.memory_space<hbm>>, %arg4: memref<25600000xf32, #tpu.memory_space<hbm>>, %arg5: memref<2x80xi32, #tpu.memory_space<smem>>, %arg6: memref<20480xf32, #tpu.memory_space<vmem>>, %arg7: memref<20480xf32, #tpu.memory_space<vmem>>, %arg8: memref<32768xf32, #tpu.memory_space<vmem>>, %arg9: memref<100000xi32, #tpu.memory_space<vmem_shared>>, %arg10: memref<32768xf32, #tpu.memory_space<vmem_shared>>, %arg11: memref<6256xi32, #tpu.memory_space<vmem>>, %arg12: memref<!tpu.dma_semaphore, #tpu.memory_space<semaphore_mem>>, %arg13: memref<!tpu.dma_semaphore, #tpu.memory_space<semaphore_mem>>, %arg14: memref<!tpu.dma_semaphore, #tpu.memory_space<semaphore_mem>>, %arg15: memref<!tpu.dma_semaphore, #tpu.memory_space<semaphore_mem>>) attributes {dimension_semantics = [#tpu.dimension_semantics<core_parallel>, #tpu.dimension_semantics<subcore_parallel>], iteration_bounds = array<i64: 2, 16>, scalar_prefetch = 0 : i64, scratch_operands = 11 : i64, tpu.core_type = #tpu.core_type<sc_vector_subcore>, window_params = [{transform_indices = #map}, {transform_indices = #map}, {transform_indices = #map}]} {
    %mul3A = arith.constant 2 : i32
    %mul3A_0 = arith.muli %arg1, %mul3A : i32
    %add3A = arith.addi %mul3A_0, %arg0 : i32
    %eq3A = arith.constant 0 : i32
    %eq3A_1 = arith.cmpi eq, %arg1, %eq3A : i32
    %convert_element_type3A = arith.extui %eq3A_1 : i1 to i32
    %cond3A = arith.constant 0 : i32
    %cond3A_2 = arith.cmpi ne, %convert_element_type3A, %cond3A : i32
    scf.if %cond3A_2 {
      "tpu.region"() ({
        %run_scoped3A = tpu.sem_alloc : memref<!tpu.dma_semaphore, #tpu.memory_space<semaphore_mem>>
        tpu.enqueue_dma source(%arg3 : memref<32768xf32, #tpu.memory_space<hbm>>) target(%arg10 : memref<32768xf32, #tpu.memory_space<vmem_shared>>) target_semaphore(%run_scoped3A : memref<!tpu.dma_semaphore, #tpu.memory_space<semaphore_mem>>)
        tpu.wait_dma2 semaphore(%run_scoped3A : memref<!tpu.dma_semaphore, #tpu.memory_space<semaphore_mem>>) src(%arg3 : memref<32768xf32, #tpu.memory_space<hbm>>) dst(%arg10 : memref<32768xf32, #tpu.memory_space<vmem_shared>>)
        tpu.yield
      }) : () -> ()
    } else {
    }
    %lt3A = arith.constant 15 : i32
    %lt3A_3 = arith.cmpi slt, %arg1, %lt3A : i32
    %convert_element_type3A_4 = arith.extui %lt3A_3 : i1 to i32
    %cond3A_5 = arith.constant 0 : i32
    %cond3A_6 = arith.cmpi ne, %convert_element_type3A_4, %cond3A_5 : i32
    scf.if %cond3A_6 {
      %mul3A_42 = arith.constant 6256 : i32
      %mul3A_43 = arith.muli %arg1, %mul3A_42 : i32
      "tpu.region"() ({
        %run_scoped3A = tpu.sem_alloc : memref<!tpu.dma_semaphore, #tpu.memory_space<semaphore_mem>>
        %dma_start3A_44 = tpu.memref_slice %arg2[%mul3A_43] : memref<100000xi32, #tpu.memory_space<hbm>> -> memref<6256xi32, #tpu.memory_space<hbm>>
        %dma_start3A_45 = tpu.memref_slice %arg2[%mul3A_43] : memref<100000xi32, #tpu.memory_space<hbm>> -> memref<6256xi32, #tpu.memory_space<hbm>>
        tpu.enqueue_dma source(%dma_start3A_45 : memref<6256xi32, #tpu.memory_space<hbm>>) target(%arg11 : memref<6256xi32, #tpu.memory_space<vmem>>) target_semaphore(%run_scoped3A : memref<!tpu.dma_semaphore, #tpu.memory_space<semaphore_mem>>)
        %dma_wait3A_46 = tpu.memref_slice %arg2[%mul3A_43] : memref<100000xi32, #tpu.memory_space<hbm>> -> memref<6256xi32, #tpu.memory_space<hbm>>
        %dma_wait3A_47 = tpu.memref_slice %arg2[%mul3A_43] : memref<100000xi32, #tpu.memory_space<hbm>> -> memref<6256xi32, #tpu.memory_space<hbm>>
        tpu.wait_dma2 semaphore(%run_scoped3A : memref<!tpu.dma_semaphore, #tpu.memory_space<semaphore_mem>>) src(%dma_wait3A_47 : memref<6256xi32, #tpu.memory_space<hbm>>) dst(%arg11 : memref<6256xi32, #tpu.memory_space<vmem>>)
        tpu.yield
      }) : () -> ()
      "tpu.region"() ({
        %run_scoped3A = tpu.sem_alloc : memref<!tpu.dma_semaphore, #tpu.memory_space<semaphore_mem>>
        %dma_start3A_44 = tpu.memref_slice %arg9[%mul3A_43] : memref<100000xi32, #tpu.memory_space<vmem_shared>> -> memref<6256xi32, #tpu.memory_space<vmem_shared>>
        %dma_start3A_45 = tpu.memref_slice %arg9[%mul3A_43] : memref<100000xi32, #tpu.memory_space<vmem_shared>> -> memref<6256xi32, #tpu.memory_space<vmem_shared>>
        tpu.enqueue_dma source(%arg11 : memref<6256xi32, #tpu.memory_space<vmem>>) target(%dma_start3A_45 : memref<6256xi32, #tpu.memory_space<vmem_shared>>) target_semaphore(%run_scoped3A : memref<!tpu.dma_semaphore, #tpu.memory_space<semaphore_mem>>)
        %dma_wait3A_46 = tpu.memref_slice %arg9[%mul3A_43] : memref<100000xi32, #tpu.memory_space<vmem_shared>> -> memref<6256xi32, #tpu.memory_space<vmem_shared>>
        %dma_wait3A_47 = tpu.memref_slice %arg9[%mul3A_43] : memref<100000xi32, #tpu.memory_space<vmem_shared>> -> memref<6256xi32, #tpu.memory_space<vmem_shared>>
        tpu.wait_dma2 semaphore(%run_scoped3A : memref<!tpu.dma_semaphore, #tpu.memory_space<semaphore_mem>>) src(%arg11 : memref<6256xi32, #tpu.memory_space<vmem>>) dst(%dma_wait3A_47 : memref<6256xi32, #tpu.memory_space<vmem_shared>>)
        tpu.yield
      }) : () -> ()
    } else {
    }
    %eq3A_7 = arith.constant 15 : i32
    %eq3A_8 = arith.cmpi eq, %arg1, %eq3A_7 : i32
    %convert_element_type3A_9 = arith.extui %eq3A_8 : i1 to i32
    %cond3A_10 = arith.constant 0 : i32
    %cond3A_11 = arith.cmpi ne, %convert_element_type3A_9, %cond3A_10 : i32
    scf.if %cond3A_11 {
      "tpu.region"() ({
        %run_scoped3A = tpu.sem_alloc : memref<!tpu.dma_semaphore, #tpu.memory_space<semaphore_mem>>
        %dma_start3A_42 = arith.constant 0 : i32
        %dma_start3A_43 = tpu.memref_slice %arg11[%dma_start3A_42] : memref<6256xi32, #tpu.memory_space<vmem>> -> memref<6160xi32, #tpu.memory_space<vmem>>
        %dma_start3A_44 = arith.constant 93840 : i32
        %dma_start3A_45 = tpu.memref_slice %arg2[%dma_start3A_44] : memref<100000xi32, #tpu.memory_space<hbm>> -> memref<6160xi32, #tpu.memory_space<hbm>>
        %dma_start3A_46 = arith.constant 0 : i32
        %dma_start3A_47 = tpu.memref_slice %arg11[%dma_start3A_46] : memref<6256xi32, #tpu.memory_space<vmem>> -> memref<6160xi32, #tpu.memory_space<vmem>>
        %dma_start3A_48 = arith.constant 93840 : i32
        %dma_start3A_49 = tpu.memref_slice %arg2[%dma_start3A_48] : memref<100000xi32, #tpu.memory_space<hbm>> -> memref<6160xi32, #tpu.memory_space<hbm>>
        tpu.enqueue_dma source(%dma_start3A_49 : memref<6160xi32, #tpu.memory_space<hbm>>) target(%dma_start3A_47 : memref<6160xi32, #tpu.memory_space<vmem>>) target_semaphore(%run_scoped3A : memref<!tpu.dma_semaphore, #tpu.memory_space<semaphore_mem>>)
        %dma_wait3A_50 = arith.constant 0 : i32
        %dma_wait3A_51 = tpu.memref_slice %arg11[%dma_wait3A_50] : memref<6256xi32, #tpu.memory_space<vmem>> -> memref<6160xi32, #tpu.memory_space<vmem>>
        %dma_wait3A_52 = arith.constant 93840 : i32
        %dma_wait3A_53 = tpu.memref_slice %arg2[%dma_wait3A_52] : memref<100000xi32, #tpu.memory_space<hbm>> -> memref<6160xi32, #tpu.memory_space<hbm>>
        %dma_wait3A_54 = arith.constant 0 : i32
        %dma_wait3A_55 = tpu.memref_slice %arg11[%dma_wait3A_54] : memref<6256xi32, #tpu.memory_space<vmem>> -> memref<6160xi32, #tpu.memory_space<vmem>>
        %dma_wait3A_56 = arith.constant 93840 : i32
        %dma_wait3A_57 = tpu.memref_slice %arg2[%dma_wait3A_56] : memref<100000xi32, #tpu.memory_space<hbm>> -> memref<6160xi32, #tpu.memory_space<hbm>>
        tpu.wait_dma2 semaphore(%run_scoped3A : memref<!tpu.dma_semaphore, #tpu.memory_space<semaphore_mem>>) src(%dma_wait3A_57 : memref<6160xi32, #tpu.memory_space<hbm>>) dst(%dma_wait3A_55 : memref<6160xi32, #tpu.memory_space<vmem>>)
        tpu.yield
      }) : () -> ()
      "tpu.region"() ({
        %run_scoped3A = tpu.sem_alloc : memref<!tpu.dma_semaphore, #tpu.memory_space<semaphore_mem>>
        %dma_start3A_42 = arith.constant 0 : i32
        %dma_start3A_43 = tpu.memref_slice %arg11[%dma_start3A_42] : memref<6256xi32, #tpu.memory_space<vmem>> -> memref<6160xi32, #tpu.memory_space<vmem>>
        %dma_start3A_44 = arith.constant 93840 : i32
        %dma_start3A_45 = tpu.memref_slice %arg9[%dma_start3A_44] : memref<100000xi32, #tpu.memory_space<vmem_shared>> -> memref<6160xi32, #tpu.memory_space<vmem_shared>>
        %dma_start3A_46 = arith.constant 93840 : i32
        %dma_start3A_47 = tpu.memref_slice %arg9[%dma_start3A_46] : memref<100000xi32, #tpu.memory_space<vmem_shared>> -> memref<6160xi32, #tpu.memory_space<vmem_shared>>
        %dma_start3A_48 = arith.constant 0 : i32
        %dma_start3A_49 = tpu.memref_slice %arg11[%dma_start3A_48] : memref<6256xi32, #tpu.memory_space<vmem>> -> memref<6160xi32, #tpu.memory_space<vmem>>
        tpu.enqueue_dma source(%dma_start3A_49 : memref<6160xi32, #tpu.memory_space<vmem>>) target(%dma_start3A_47 : memref<6160xi32, #tpu.memory_space<vmem_shared>>) target_semaphore(%run_scoped3A : memref<!tpu.dma_semaphore, #tpu.memory_space<semaphore_mem>>)
        %dma_wait3A_50 = arith.constant 0 : i32
        %dma_wait3A_51 = tpu.memref_slice %arg11[%dma_wait3A_50] : memref<6256xi32, #tpu.memory_space<vmem>> -> memref<6160xi32, #tpu.memory_space<vmem>>
        %dma_wait3A_52 = arith.constant 93840 : i32
        %dma_wait3A_53 = tpu.memref_slice %arg9[%dma_wait3A_52] : memref<100000xi32, #tpu.memory_space<vmem_shared>> -> memref<6160xi32, #tpu.memory_space<vmem_shared>>
        %dma_wait3A_54 = arith.constant 93840 : i32
        %dma_wait3A_55 = tpu.memref_slice %arg9[%dma_wait3A_54] : memref<100000xi32, #tpu.memory_space<vmem_shared>> -> memref<6160xi32, #tpu.memory_space<vmem_shared>>
        %dma_wait3A_56 = arith.constant 0 : i32
        %dma_wait3A_57 = tpu.memref_slice %arg11[%dma_wait3A_56] : memref<6256xi32, #tpu.memory_space<vmem>> -> memref<6160xi32, #tpu.memory_space<vmem>>
        tpu.wait_dma2 semaphore(%run_scoped3A : memref<!tpu.dma_semaphore, #tpu.memory_space<semaphore_mem>>) src(%dma_wait3A_57 : memref<6160xi32, #tpu.memory_space<vmem>>) dst(%dma_wait3A_55 : memref<6160xi32, #tpu.memory_space<vmem_shared>>)
        tpu.yield
      }) : () -> ()
    } else {
    }
    %barrier3A = arith.constant 0 : index
    tpu.barrier barrier_id(%barrier3A)
    "tpu.region"() ({
      %run_scoped3A = tpu.sem_alloc : memref<!tpu.dma_semaphore, #tpu.memory_space<semaphore_mem>>
      tpu.enqueue_dma source(%arg10 : memref<32768xf32, #tpu.memory_space<vmem_shared>>) target(%arg8 : memref<32768xf32, #tpu.memory_space<vmem>>) target_semaphore(%run_scoped3A : memref<!tpu.dma_semaphore, #tpu.memory_space<semaphore_mem>>)
      tpu.wait_dma2 semaphore(%run_scoped3A : memref<!tpu.dma_semaphore, #tpu.memory_space<semaphore_mem>>) src(%arg10 : memref<32768xf32, #tpu.memory_space<vmem_shared>>) dst(%arg8 : memref<32768xf32, #tpu.memory_space<vmem>>)
      tpu.yield
    }) : () -> ()
    %barrier3A_12 = arith.constant 0 : index
    tpu.barrier barrier_id(%barrier3A_12)
    %add3A_13 = arith.constant 0 : i32
    %add3A_14 = arith.addi %add3A, %add3A_13 : i32
    %mul3A_15 = arith.constant 80 : i32
    %mul3A_16 = arith.muli %add3A_14, %mul3A_15 : i32
    %dma_start3A = arith.constant 0 : i32
    %dma_start3A_17 = arith.constant 0 : i32
    %dma_start3A_18 = tpu.memref_slice %arg5[%dma_start3A, %dma_start3A_17] : memref<2x80xi32, #tpu.memory_space<smem>> -> memref<1x80xi32, #tpu.memory_space<smem>>
    %dma_start3A_19 = tpu.memref_squeeze %dma_start3A_18 : memref<1x80xi32, #tpu.memory_space<smem>> -> memref<80xi32, #tpu.memory_space<smem>>
    %dma_start3A_20 = tpu.memref_slice %arg9[%mul3A_16] : memref<100000xi32, #tpu.memory_space<vmem_shared>> -> memref<80xi32, #tpu.memory_space<vmem_shared>>
    tpu.enqueue_dma source(%dma_start3A_20 : memref<80xi32, #tpu.memory_space<vmem_shared>>) target(%dma_start3A_19 : memref<80xi32, #tpu.memory_space<smem>>) target_semaphore(%arg12 : memref<!tpu.dma_semaphore, #tpu.memory_space<semaphore_mem>>)
    %add3A_21 = arith.constant 32 : i32
    %add3A_22 = arith.addi %add3A, %add3A_21 : i32
    %mul3A_23 = arith.constant 80 : i32
    %mul3A_24 = arith.muli %add3A_22, %mul3A_23 : i32
    %dma_start3A_25 = arith.constant 1 : i32
    %dma_start3A_26 = arith.constant 0 : i32
    %dma_start3A_27 = tpu.memref_slice %arg5[%dma_start3A_25, %dma_start3A_26] : memref<2x80xi32, #tpu.memory_space<smem>> -> memref<1x80xi32, #tpu.memory_space<smem>>
    %dma_start3A_28 = tpu.memref_squeeze %dma_start3A_27 : memref<1x80xi32, #tpu.memory_space<smem>> -> memref<80xi32, #tpu.memory_space<smem>>
    %dma_start3A_29 = tpu.memref_slice %arg9[%mul3A_24] : memref<100000xi32, #tpu.memory_space<vmem_shared>> -> memref<80xi32, #tpu.memory_space<vmem_shared>>
    tpu.enqueue_dma source(%dma_start3A_29 : memref<80xi32, #tpu.memory_space<vmem_shared>>) target(%dma_start3A_28 : memref<80xi32, #tpu.memory_space<smem>>) target_semaphore(%arg13 : memref<!tpu.dma_semaphore, #tpu.memory_space<semaphore_mem>>)
    %scan3A = arith.constant 0 : i32
    %scan3A_30 = arith.constant 0 : i32
    %scan3A_31 = arith.constant 20 : i32
    %scan3A_32 = arith.addi %scan3A_30, %scan3A_31 : i32
    %scan3A_33 = arith.constant 1 : i32
    scf.for %scan3A_42 = %scan3A_30 to %scan3A_32 step %scan3A_33  : i32 {
      %mul3A_43 = arith.constant 2 : i32
      %mul3A_44 = arith.muli %mul3A_43, %scan3A_42 : i32
      %add3A_45 = arith.constant 0 : i32
      %add3A_46 = arith.addi %mul3A_44, %add3A_45 : i32
      %mul3A_47 = arith.constant 32 : i32
      %mul3A_48 = arith.muli %add3A_46, %mul3A_47 : i32
      %add3A_49 = arith.addi %add3A, %mul3A_48 : i32
      %lt3A_50 = arith.constant 1250 : i32
      %lt3A_51 = arith.cmpi slt, %add3A_49, %lt3A_50 : i32
      %convert_element_type3A_52 = arith.extui %lt3A_51 : i1 to i32
      %cond3A_53 = arith.constant 0 : i32
      %cond3A_54 = arith.cmpi ne, %convert_element_type3A_52, %cond3A_53 : i32
      scf.if %cond3A_54 {
        %dma_wait3A_67 = arith.constant 0 : i32
        %dma_wait3A_68 = arith.constant 0 : i32
        %dma_wait3A_69 = tpu.memref_slice %arg5[%dma_wait3A_67, %dma_wait3A_68] : memref<2x80xi32, #tpu.memory_space<smem>> -> memref<1x80xi32, #tpu.memory_space<smem>>
        %dma_wait3A_70 = tpu.memref_squeeze %dma_wait3A_69 : memref<1x80xi32, #tpu.memory_space<smem>> -> memref<80xi32, #tpu.memory_space<smem>>
        %dma_wait3A_71 = arith.constant 0 : i32
        %dma_wait3A_72 = tpu.memref_slice %arg9[%dma_wait3A_71] : memref<100000xi32, #tpu.memory_space<vmem_shared>> -> memref<80xi32, #tpu.memory_space<vmem_shared>>
        tpu.wait_dma2 semaphore(%arg12 : memref<!tpu.dma_semaphore, #tpu.memory_space<semaphore_mem>>) src(%dma_wait3A_72 : memref<80xi32, #tpu.memory_space<vmem_shared>>) dst(%dma_wait3A_70 : memref<80xi32, #tpu.memory_space<smem>>)
        %ge3A = arith.constant 1 : i32
        %ge3A_73 = arith.cmpi sge, %scan3A_42, %ge3A : i32
        %convert_element_type3A_74 = arith.extui %ge3A_73 : i1 to i32
        %cond3A_75 = arith.constant 0 : i32
        %cond3A_76 = arith.cmpi ne, %convert_element_type3A_74, %cond3A_75 : i32
        scf.if %cond3A_76 {
          %dma_wait3A_96 = arith.constant 0 : i32
          %dma_wait3A_97 = tpu.memref_slice %arg4[%dma_wait3A_96] : memref<25600000xf32, #tpu.memory_space<hbm>> -> memref<20480xf32, #tpu.memory_space<hbm>>
          %dma_wait3A_98 = arith.constant 0 : i32
          %dma_wait3A_99 = tpu.memref_slice %arg4[%dma_wait3A_98] : memref<25600000xf32, #tpu.memory_space<hbm>> -> memref<20480xf32, #tpu.memory_space<hbm>>
          tpu.wait_dma2 semaphore(%arg14 : memref<!tpu.dma_semaphore, #tpu.memory_space<semaphore_mem>>) src(%arg6 : memref<20480xf32, #tpu.memory_space<vmem>>) dst(%dma_wait3A_99 : memref<20480xf32, #tpu.memory_space<hbm>>)
        } else {
        }
        %parallel_loop3A = arith.constant 0 : i32
        %parallel_loop3A_77 = arith.constant 80 : i32
        %parallel_loop3A_78 = arith.constant 1 : i32
        scf.for %parallel_loop3A_96 = %parallel_loop3A to %parallel_loop3A_77 step %parallel_loop3A_78  : i32 {
          %parallel_loop3A_97 = arith.constant 0 : i32
          %parallel_loop3A_98 = arith.index_cast %parallel_loop3A_97 : i32 to index
          %parallel_loop3A_99 = arith.index_cast %parallel_loop3A_96 : i32 to index
          %parallel_loop3A_100 = memref.load %arg5[%parallel_loop3A_98, %parallel_loop3A_99] : memref<2x80xi32, #tpu.memory_space<smem>>
          %parallel_loop3A_101 = arith.constant 256 : i32
          %parallel_loop3A_102 = arith.muli %parallel_loop3A_100, %parallel_loop3A_101 : i32
          %parallel_loop3A_103 = arith.constant 256 : i32
          %parallel_loop3A_104 = arith.muli %parallel_loop3A_96, %parallel_loop3A_103 : i32
          %parallel_loop3A_105 = arith.constant 0 : i32
          %parallel_loop3A_106 = arith.addi %parallel_loop3A_102, %parallel_loop3A_105 : i32
          %parallel_loop3A_107 = arith.index_cast %parallel_loop3A_106 : i32 to index
          %parallel_loop3A_108 = tpu.vector_load %arg8[%parallel_loop3A_107] {strides = array<i32>} : memref<32768xf32, #tpu.memory_space<vmem>>, vector<16xf32>,
          %parallel_loop3A_109 = arith.constant 16 : i32
          %parallel_loop3A_110 = arith.addi %parallel_loop3A_102, %parallel_loop3A_109 : i32
          %parallel_loop3A_111 = arith.index_cast %parallel_loop3A_110 : i32 to index
          %parallel_loop3A_112 = tpu.vector_load %arg8[%parallel_loop3A_111] {strides = array<i32>} : memref<32768xf32, #tpu.memory_space<vmem>>, vector<16xf32>,
          %parallel_loop3A_113 = arith.constant 32 : i32
          %parallel_loop3A_114 = arith.addi %parallel_loop3A_102, %parallel_loop3A_113 : i32
          %parallel_loop3A_115 = arith.index_cast %parallel_loop3A_114 : i32 to index
          %parallel_loop3A_116 = tpu.vector_load %arg8[%parallel_loop3A_115] {strides = array<i32>} : memref<32768xf32, #tpu.memory_space<vmem>>, vector<16xf32>,
          %parallel_loop3A_117 = arith.constant 48 : i32
          %parallel_loop3A_118 = arith.addi %parallel_loop3A_102, %parallel_loop3A_117 : i32
          %parallel_loop3A_119 = arith.index_cast %parallel_loop3A_118 : i32 to index
          %parallel_loop3A_120 = tpu.vector_load %arg8[%parallel_loop3A_119] {strides = array<i32>} : memref<32768xf32, #tpu.memory_space<vmem>>, vector<16xf32>,
          %parallel_loop3A_121 = arith.constant 64 : i32
          %parallel_loop3A_122 = arith.addi %parallel_loop3A_102, %parallel_loop3A_121 : i32
          %parallel_loop3A_123 = arith.index_cast %parallel_loop3A_122 : i32 to index
          %parallel_loop3A_124 = tpu.vector_load %arg8[%parallel_loop3A_123] {strides = array<i32>} : memref<32768xf32, #tpu.memory_space<vmem>>, vector<16xf32>,
          %parallel_loop3A_125 = arith.constant 80 : i32
          %parallel_loop3A_126 = arith.addi %parallel_loop3A_102, %parallel_loop3A_125 : i32
          %parallel_loop3A_127 = arith.index_cast %parallel_loop3A_126 : i32 to index
          %parallel_loop3A_128 = tpu.vector_load %arg8[%parallel_loop3A_127] {strides = array<i32>} : memref<32768xf32, #tpu.memory_space<vmem>>, vector<16xf32>,
          %parallel_loop3A_129 = arith.constant 96 : i32
          %parallel_loop3A_130 = arith.addi %parallel_loop3A_102, %parallel_loop3A_129 : i32
          %parallel_loop3A_131 = arith.index_cast %parallel_loop3A_130 : i32 to index
          %parallel_loop3A_132 = tpu.vector_load %arg8[%parallel_loop3A_131] {strides = array<i32>} : memref<32768xf32, #tpu.memory_space<vmem>>, vector<16xf32>,
          %parallel_loop3A_133 = arith.constant 112 : i32
          %parallel_loop3A_134 = arith.addi %parallel_loop3A_102, %parallel_loop3A_133 : i32
          %parallel_loop3A_135 = arith.index_cast %parallel_loop3A_134 : i32 to index
          %parallel_loop3A_136 = tpu.vector_load %arg8[%parallel_loop3A_135] {strides = array<i32>} : memref<32768xf32, #tpu.memory_space<vmem>>, vector<16xf32>,
          %parallel_loop3A_137 = arith.constant 128 : i32
          %parallel_loop3A_138 = arith.addi %parallel_loop3A_102, %parallel_loop3A_137 : i32
          %parallel_loop3A_139 = arith.index_cast %parallel_loop3A_138 : i32 to index
          %parallel_loop3A_140 = tpu.vector_load %arg8[%parallel_loop3A_139] {strides = array<i32>} : memref<32768xf32, #tpu.memory_space<vmem>>, vector<16xf32>,
          %parallel_loop3A_141 = arith.constant 144 : i32
          %parallel_loop3A_142 = arith.addi %parallel_loop3A_102, %parallel_loop3A_141 : i32
          %parallel_loop3A_143 = arith.index_cast %parallel_loop3A_142 : i32 to index
          %parallel_loop3A_144 = tpu.vector_load %arg8[%parallel_loop3A_143] {strides = array<i32>} : memref<32768xf32, #tpu.memory_space<vmem>>, vector<16xf32>,
          %parallel_loop3A_145 = arith.constant 160 : i32
          %parallel_loop3A_146 = arith.addi %parallel_loop3A_102, %parallel_loop3A_145 : i32
          %parallel_loop3A_147 = arith.index_cast %parallel_loop3A_146 : i32 to index
          %parallel_loop3A_148 = tpu.vector_load %arg8[%parallel_loop3A_147] {strides = array<i32>} : memref<32768xf32, #tpu.memory_space<vmem>>, vector<16xf32>,
          %parallel_loop3A_149 = arith.constant 176 : i32
          %parallel_loop3A_150 = arith.addi %parallel_loop3A_102, %parallel_loop3A_149 : i32
          %parallel_loop3A_151 = arith.index_cast %parallel_loop3A_150 : i32 to index
          %parallel_loop3A_152 = tpu.vector_load %arg8[%parallel_loop3A_151] {strides = array<i32>} : memref<32768xf32, #tpu.memory_space<vmem>>, vector<16xf32>,
          %parallel_loop3A_153 = arith.constant 192 : i32
          %parallel_loop3A_154 = arith.addi %parallel_loop3A_102, %parallel_loop3A_153 : i32
          %parallel_loop3A_155 = arith.index_cast %parallel_loop3A_154 : i32 to index
          %parallel_loop3A_156 = tpu.vector_load %arg8[%parallel_loop3A_155] {strides = array<i32>} : memref<32768xf32, #tpu.memory_space<vmem>>, vector<16xf32>,
          %parallel_loop3A_157 = arith.constant 208 : i32
          %parallel_loop3A_158 = arith.addi %parallel_loop3A_102, %parallel_loop3A_157 : i32
          %parallel_loop3A_159 = arith.index_cast %parallel_loop3A_158 : i32 to index
          %parallel_loop3A_160 = tpu.vector_load %arg8[%parallel_loop3A_159] {strides = array<i32>} : memref<32768xf32, #tpu.memory_space<vmem>>, vector<16xf32>,
          %parallel_loop3A_161 = arith.constant 224 : i32
          %parallel_loop3A_162 = arith.addi %parallel_loop3A_102, %parallel_loop3A_161 : i32
          %parallel_loop3A_163 = arith.index_cast %parallel_loop3A_162 : i32 to index
          %parallel_loop3A_164 = tpu.vector_load %arg8[%parallel_loop3A_163] {strides = array<i32>} : memref<32768xf32, #tpu.memory_space<vmem>>, vector<16xf32>,
          %parallel_loop3A_165 = arith.constant 240 : i32
          %parallel_loop3A_166 = arith.addi %parallel_loop3A_102, %parallel_loop3A_165 : i32
          %parallel_loop3A_167 = arith.index_cast %parallel_loop3A_166 : i32 to index
          %parallel_loop3A_168 = tpu.vector_load %arg8[%parallel_loop3A_167] {strides = array<i32>} : memref<32768xf32, #tpu.memory_space<vmem>>, vector<16xf32>,
          %parallel_loop3A_169 = arith.constant 0 : i32
          %parallel_loop3A_170 = arith.addi %parallel_loop3A_104, %parallel_loop3A_169 : i32
          %parallel_loop3A_171 = arith.index_cast %parallel_loop3A_170 : i32 to index
          %parallel_loop3A_172 = tpu.vector_load %arg6[%parallel_loop3A_171] {strides = array<i32>} : memref<20480xf32, #tpu.memory_space<vmem>>, vector<16xf32>,
          tpu.vector_store %arg6[%parallel_loop3A_171], %parallel_loop3A_108 {strides = array<i32>} : memref<20480xf32, #tpu.memory_space<vmem>>, vector<16xf32>,
          %parallel_loop3A_173 = arith.constant 16 : i32
          %parallel_loop3A_174 = arith.addi %parallel_loop3A_104, %parallel_loop3A_173 : i32
          %parallel_loop3A_175 = arith.index_cast %parallel_loop3A_174 : i32 to index
          %parallel_loop3A_176 = tpu.vector_load %arg6[%parallel_loop3A_175] {strides = array<i32>} : memref<20480xf32, #tpu.memory_space<vmem>>, vector<16xf32>,
          tpu.vector_store %arg6[%parallel_loop3A_175], %parallel_loop3A_112 {strides = array<i32>} : memref<20480xf32, #tpu.memory_space<vmem>>, vector<16xf32>,
          %parallel_loop3A_177 = arith.constant 32 : i32
          %parallel_loop3A_178 = arith.addi %parallel_loop3A_104, %parallel_loop3A_177 : i32
          %parallel_loop3A_179 = arith.index_cast %parallel_loop3A_178 : i32 to index
          %parallel_loop3A_180 = tpu.vector_load %arg6[%parallel_loop3A_179] {strides = array<i32>} : memref<20480xf32, #tpu.memory_space<vmem>>, vector<16xf32>,
          tpu.vector_store %arg6[%parallel_loop3A_179], %parallel_loop3A_116 {strides = array<i32>} : memref<20480xf32, #tpu.memory_space<vmem>>, vector<16xf32>,
          %parallel_loop3A_181 = arith.constant 48 : i32
          %parallel_loop3A_182 = arith.addi %parallel_loop3A_104, %parallel_loop3A_181 : i32
          %parallel_loop3A_183 = arith.index_cast %parallel_loop3A_182 : i32 to index
          %parallel_loop3A_184 = tpu.vector_load %arg6[%parallel_loop3A_183] {strides = array<i32>} : memref<20480xf32, #tpu.memory_space<vmem>>, vector<16xf32>,
          tpu.vector_store %arg6[%parallel_loop3A_183], %parallel_loop3A_120 {strides = array<i32>} : memref<20480xf32, #tpu.memory_space<vmem>>, vector<16xf32>,
          %parallel_loop3A_185 = arith.constant 64 : i32
          %parallel_loop3A_186 = arith.addi %parallel_loop3A_104, %parallel_loop3A_185 : i32
          %parallel_loop3A_187 = arith.index_cast %parallel_loop3A_186 : i32 to index
          %parallel_loop3A_188 = tpu.vector_load %arg6[%parallel_loop3A_187] {strides = array<i32>} : memref<20480xf32, #tpu.memory_space<vmem>>, vector<16xf32>,
          tpu.vector_store %arg6[%parallel_loop3A_187], %parallel_loop3A_124 {strides = array<i32>} : memref<20480xf32, #tpu.memory_space<vmem>>, vector<16xf32>,
          %parallel_loop3A_189 = arith.constant 80 : i32
          %parallel_loop3A_190 = arith.addi %parallel_loop3A_104, %parallel_loop3A_189 : i32
          %parallel_loop3A_191 = arith.index_cast %parallel_loop3A_190 : i32 to index
          %parallel_loop3A_192 = tpu.vector_load %arg6[%parallel_loop3A_191] {strides = array<i32>} : memref<20480xf32, #tpu.memory_space<vmem>>, vector<16xf32>,
          tpu.vector_store %arg6[%parallel_loop3A_191], %parallel_loop3A_128 {strides = array<i32>} : memref<20480xf32, #tpu.memory_space<vmem>>, vector<16xf32>,
          %parallel_loop3A_193 = arith.constant 96 : i32
          %parallel_loop3A_194 = arith.addi %parallel_loop3A_104, %parallel_loop3A_193 : i32
          %parallel_loop3A_195 = arith.index_cast %parallel_loop3A_194 : i32 to index
          %parallel_loop3A_196 = tpu.vector_load %arg6[%parallel_loop3A_195] {strides = array<i32>} : memref<20480xf32, #tpu.memory_space<vmem>>, vector<16xf32>,
          tpu.vector_store %arg6[%parallel_loop3A_195], %parallel_loop3A_132 {strides = array<i32>} : memref<20480xf32, #tpu.memory_space<vmem>>, vector<16xf32>,
          %parallel_loop3A_197 = arith.constant 112 : i32
          %parallel_loop3A_198 = arith.addi %parallel_loop3A_104, %parallel_loop3A_197 : i32
          %parallel_loop3A_199 = arith.index_cast %parallel_loop3A_198 : i32 to index
          %parallel_loop3A_200 = tpu.vector_load %arg6[%parallel_loop3A_199] {strides = array<i32>} : memref<20480xf32, #tpu.memory_space<vmem>>, vector<16xf32>,
          tpu.vector_store %arg6[%parallel_loop3A_199], %parallel_loop3A_136 {strides = array<i32>} : memref<20480xf32, #tpu.memory_space<vmem>>, vector<16xf32>,
          %parallel_loop3A_201 = arith.constant 128 : i32
          %parallel_loop3A_202 = arith.addi %parallel_loop3A_104, %parallel_loop3A_201 : i32
          %parallel_loop3A_203 = arith.index_cast %parallel_loop3A_202 : i32 to index
          %parallel_loop3A_204 = tpu.vector_load %arg6[%parallel_loop3A_203] {strides = array<i32>} : memref<20480xf32, #tpu.memory_space<vmem>>, vector<16xf32>,
          tpu.vector_store %arg6[%parallel_loop3A_203], %parallel_loop3A_140 {strides = array<i32>} : memref<20480xf32, #tpu.memory_space<vmem>>, vector<16xf32>,
          %parallel_loop3A_205 = arith.constant 144 : i32
          %parallel_loop3A_206 = arith.addi %parallel_loop3A_104, %parallel_loop3A_205 : i32
          %parallel_loop3A_207 = arith.index_cast %parallel_loop3A_206 : i32 to index
          %parallel_loop3A_208 = tpu.vector_load %arg6[%parallel_loop3A_207] {strides = array<i32>} : memref<20480xf32, #tpu.memory_space<vmem>>, vector<16xf32>,
          tpu.vector_store %arg6[%parallel_loop3A_207], %parallel_loop3A_144 {strides = array<i32>} : memref<20480xf32, #tpu.memory_space<vmem>>, vector<16xf32>,
          %parallel_loop3A_209 = arith.constant 160 : i32
          %parallel_loop3A_210 = arith.addi %parallel_loop3A_104, %parallel_loop3A_209 : i32
          %parallel_loop3A_211 = arith.index_cast %parallel_loop3A_210 : i32 to index
          %parallel_loop3A_212 = tpu.vector_load %arg6[%parallel_loop3A_211] {strides = array<i32>} : memref<20480xf32, #tpu.memory_space<vmem>>, vector<16xf32>,
          tpu.vector_store %arg6[%parallel_loop3A_211], %parallel_loop3A_148 {strides = array<i32>} : memref<20480xf32, #tpu.memory_space<vmem>>, vector<16xf32>,
          %parallel_loop3A_213 = arith.constant 176 : i32
          %parallel_loop3A_214 = arith.addi %parallel_loop3A_104, %parallel_loop3A_213 : i32
          %parallel_loop3A_215 = arith.index_cast %parallel_loop3A_214 : i32 to index
          %parallel_loop3A_216 = tpu.vector_load %arg6[%parallel_loop3A_215] {strides = array<i32>} : memref<20480xf32, #tpu.memory_space<vmem>>, vector<16xf32>,
          tpu.vector_store %arg6[%parallel_loop3A_215], %parallel_loop3A_152 {strides = array<i32>} : memref<20480xf32, #tpu.memory_space<vmem>>, vector<16xf32>,
          %parallel_loop3A_217 = arith.constant 192 : i32
          %parallel_loop3A_218 = arith.addi %parallel_loop3A_104, %parallel_loop3A_217 : i32
          %parallel_loop3A_219 = arith.index_cast %parallel_loop3A_218 : i32 to index
          %parallel_loop3A_220 = tpu.vector_load %arg6[%parallel_loop3A_219] {strides = array<i32>} : memref<20480xf32, #tpu.memory_space<vmem>>, vector<16xf32>,
          tpu.vector_store %arg6[%parallel_loop3A_219], %parallel_loop3A_156 {strides = array<i32>} : memref<20480xf32, #tpu.memory_space<vmem>>, vector<16xf32>,
          %parallel_loop3A_221 = arith.constant 208 : i32
          %parallel_loop3A_222 = arith.addi %parallel_loop3A_104, %parallel_loop3A_221 : i32
          %parallel_loop3A_223 = arith.index_cast %parallel_loop3A_222 : i32 to index
          %parallel_loop3A_224 = tpu.vector_load %arg6[%parallel_loop3A_223] {strides = array<i32>} : memref<20480xf32, #tpu.memory_space<vmem>>, vector<16xf32>,
          tpu.vector_store %arg6[%parallel_loop3A_223], %parallel_loop3A_160 {strides = array<i32>} : memref<20480xf32, #tpu.memory_space<vmem>>, vector<16xf32>,
          %parallel_loop3A_225 = arith.constant 224 : i32
          %parallel_loop3A_226 = arith.addi %parallel_loop3A_104, %parallel_loop3A_225 : i32
          %parallel_loop3A_227 = arith.index_cast %parallel_loop3A_226 : i32 to index
          %parallel_loop3A_228 = tpu.vector_load %arg6[%parallel_loop3A_227] {strides = array<i32>} : memref<20480xf32, #tpu.memory_space<vmem>>, vector<16xf32>,
          tpu.vector_store %arg6[%parallel_loop3A_227], %parallel_loop3A_164 {strides = array<i32>} : memref<20480xf32, #tpu.memory_space<vmem>>, vector<16xf32>,
          %parallel_loop3A_229 = arith.constant 240 : i32
          %parallel_loop3A_230 = arith.addi %parallel_loop3A_104, %parallel_loop3A_229 : i32
          %parallel_loop3A_231 = arith.index_cast %parallel_loop3A_230 : i32 to index
          %parallel_loop3A_232 = tpu.vector_load %arg6[%parallel_loop3A_231] {strides = array<i32>} : memref<20480xf32, #tpu.memory_space<vmem>>, vector<16xf32>,
          tpu.vector_store %arg6[%parallel_loop3A_231], %parallel_loop3A_168 {strides = array<i32>} : memref<20480xf32, #tpu.memory_space<vmem>>, vector<16xf32>,
        } {sc.loop_unroll_factor = 2 : i64, sc.parallel_access}
        %mul3A_79 = arith.constant 32 : i32
        %mul3A_80 = arith.muli %add3A_46, %mul3A_79 : i32
        %add3A_81 = arith.addi %add3A, %mul3A_80 : i32
        %mul3A_82 = arith.constant 20480 : i32
        %mul3A_83 = arith.muli %add3A_81, %mul3A_82 : i32
        %dma_start3A_84 = tpu.memref_slice %arg4[%mul3A_83] : memref<25600000xf32, #tpu.memory_space<hbm>> -> memref<20480xf32, #tpu.memory_space<hbm>>
        %dma_start3A_85 = tpu.memref_slice %arg4[%mul3A_83] : memref<25600000xf32, #tpu.memory_space<hbm>> -> memref<20480xf32, #tpu.memory_space<hbm>>
        tpu.enqueue_dma source(%arg6 : memref<20480xf32, #tpu.memory_space<vmem>>) target(%dma_start3A_85 : memref<20480xf32, #tpu.memory_space<hbm>>) target_semaphore(%arg14 : memref<!tpu.dma_semaphore, #tpu.memory_space<semaphore_mem>>)
        %add3A_86 = arith.constant 2 : i32
        %add3A_87 = arith.addi %add3A_46, %add3A_86 : i32
        %mul3A_88 = arith.constant 32 : i32
        %mul3A_89 = arith.muli %add3A_87, %mul3A_88 : i32
        %add3A_90 = arith.addi %add3A, %mul3A_89 : i32
        %lt3A_91 = arith.constant 1250 : i32
        %lt3A_92 = arith.cmpi slt, %add3A_90, %lt3A_91 : i32
        %convert_element_type3A_93 = arith.extui %lt3A_92 : i1 to i32
        %cond3A_94 = arith.constant 0 : i32
        %cond3A_95 = arith.cmpi ne, %convert_element_type3A_93, %cond3A_94 : i32
        scf.if %cond3A_95 {
          %add3A_96 = arith.constant 2 : i32
          %add3A_97 = arith.addi %add3A_46, %add3A_96 : i32
          %mul3A_98 = arith.constant 32 : i32
          %mul3A_99 = arith.muli %add3A_97, %mul3A_98 : i32
          %add3A_100 = arith.addi %add3A, %mul3A_99 : i32
          %mul3A_101 = arith.constant 80 : i32
          %mul3A_102 = arith.muli %add3A_100, %mul3A_101 : i32
          %dma_start3A_103 = arith.constant 0 : i32
          %dma_start3A_104 = arith.constant 0 : i32
          %dma_start3A_105 = tpu.memref_slice %arg5[%dma_start3A_103, %dma_start3A_104] : memref<2x80xi32, #tpu.memory_space<smem>> -> memref<1x80xi32, #tpu.memory_space<smem>>
          %dma_start3A_106 = tpu.memref_squeeze %dma_start3A_105 : memref<1x80xi32, #tpu.memory_space<smem>> -> memref<80xi32, #tpu.memory_space<smem>>
          %dma_start3A_107 = tpu.memref_slice %arg9[%mul3A_102] : memref<100000xi32, #tpu.memory_space<vmem_shared>> -> memref<80xi32, #tpu.memory_space<vmem_shared>>
          tpu.enqueue_dma source(%dma_start3A_107 : memref<80xi32, #tpu.memory_space<vmem_shared>>) target(%dma_start3A_106 : memref<80xi32, #tpu.memory_space<smem>>) target_semaphore(%arg12 : memref<!tpu.dma_semaphore, #tpu.memory_space<semaphore_mem>>)
        } else {
        }
      } else {
      }
      %mul3A_55 = arith.constant 2 : i32
      %mul3A_56 = arith.muli %mul3A_55, %scan3A_42 : i32
      %add3A_57 = arith.constant 1 : i32
      %add3A_58 = arith.addi %mul3A_56, %add3A_57 : i32
      %mul3A_59 = arith.constant 32 : i32
      %mul3A_60 = arith.muli %add3A_58, %mul3A_59 : i32
      %add3A_61 = arith.addi %add3A, %mul3A_60 : i32
      %lt3A_62 = arith.constant 1250 : i32
      %lt3A_63 = arith.cmpi slt, %add3A_61, %lt3A_62 : i32
      %convert_element_type3A_64 = arith.extui %lt3A_63 : i1 to i32
      %cond3A_65 = arith.constant 0 : i32
      %cond3A_66 = arith.cmpi ne, %convert_element_type3A_64, %cond3A_65 : i32
      scf.if %cond3A_66 {
        %dma_wait3A_67 = arith.constant 1 : i32
        %dma_wait3A_68 = arith.constant 0 : i32
        %dma_wait3A_69 = tpu.memref_slice %arg5[%dma_wait3A_67, %dma_wait3A_68] : memref<2x80xi32, #tpu.memory_space<smem>> -> memref<1x80xi32, #tpu.memory_space<smem>>
        %dma_wait3A_70 = tpu.memref_squeeze %dma_wait3A_69 : memref<1x80xi32, #tpu.memory_space<smem>> -> memref<80xi32, #tpu.memory_space<smem>>
        %dma_wait3A_71 = arith.constant 0 : i32
        %dma_wait3A_72 = tpu.memref_slice %arg9[%dma_wait3A_71] : memref<100000xi32, #tpu.memory_space<vmem_shared>> -> memref<80xi32, #tpu.memory_space<vmem_shared>>
        tpu.wait_dma2 semaphore(%arg13 : memref<!tpu.dma_semaphore, #tpu.memory_space<semaphore_mem>>) src(%dma_wait3A_72 : memref<80xi32, #tpu.memory_space<vmem_shared>>) dst(%dma_wait3A_70 : memref<80xi32, #tpu.memory_space<smem>>)
        %ge3A = arith.constant 1 : i32
        %ge3A_73 = arith.cmpi sge, %scan3A_42, %ge3A : i32
        %convert_element_type3A_74 = arith.extui %ge3A_73 : i1 to i32
        %cond3A_75 = arith.constant 0 : i32
        %cond3A_76 = arith.cmpi ne, %convert_element_type3A_74, %cond3A_75 : i32
        scf.if %cond3A_76 {
          %dma_wait3A_96 = arith.constant 0 : i32
          %dma_wait3A_97 = tpu.memref_slice %arg4[%dma_wait3A_96] : memref<25600000xf32, #tpu.memory_space<hbm>> -> memref<20480xf32, #tpu.memory_space<hbm>>
          %dma_wait3A_98 = arith.constant 0 : i32
          %dma_wait3A_99 = tpu.memref_slice %arg4[%dma_wait3A_98] : memref<25600000xf32, #tpu.memory_space<hbm>> -> memref<20480xf32, #tpu.memory_space<hbm>>
          tpu.wait_dma2 semaphore(%arg15 : memref<!tpu.dma_semaphore, #tpu.memory_space<semaphore_mem>>) src(%arg7 : memref<20480xf32, #tpu.memory_space<vmem>>) dst(%dma_wait3A_99 : memref<20480xf32, #tpu.memory_space<hbm>>)
        } else {
        }
        %parallel_loop3A = arith.constant 0 : i32
        %parallel_loop3A_77 = arith.constant 80 : i32
        %parallel_loop3A_78 = arith.constant 1 : i32
        scf.for %parallel_loop3A_96 = %parallel_loop3A to %parallel_loop3A_77 step %parallel_loop3A_78  : i32 {
          %parallel_loop3A_97 = arith.constant 1 : i32
          %parallel_loop3A_98 = arith.index_cast %parallel_loop3A_97 : i32 to index
          %parallel_loop3A_99 = arith.index_cast %parallel_loop3A_96 : i32 to index
          %parallel_loop3A_100 = memref.load %arg5[%parallel_loop3A_98, %parallel_loop3A_99] : memref<2x80xi32, #tpu.memory_space<smem>>
          %parallel_loop3A_101 = arith.constant 256 : i32
          %parallel_loop3A_102 = arith.muli %parallel_loop3A_100, %parallel_loop3A_101 : i32
          %parallel_loop3A_103 = arith.constant 256 : i32
          %parallel_loop3A_104 = arith.muli %parallel_loop3A_96, %parallel_loop3A_103 : i32
          %parallel_loop3A_105 = arith.constant 0 : i32
          %parallel_loop3A_106 = arith.addi %parallel_loop3A_102, %parallel_loop3A_105 : i32
          %parallel_loop3A_107 = arith.index_cast %parallel_loop3A_106 : i32 to index
          %parallel_loop3A_108 = tpu.vector_load %arg8[%parallel_loop3A_107] {strides = array<i32>} : memref<32768xf32, #tpu.memory_space<vmem>>, vector<16xf32>,
          %parallel_loop3A_109 = arith.constant 16 : i32
          %parallel_loop3A_110 = arith.addi %parallel_loop3A_102, %parallel_loop3A_109 : i32
          %parallel_loop3A_111 = arith.index_cast %parallel_loop3A_110 : i32 to index
          %parallel_loop3A_112 = tpu.vector_load %arg8[%parallel_loop3A_111] {strides = array<i32>} : memref<32768xf32, #tpu.memory_space<vmem>>, vector<16xf32>,
          %parallel_loop3A_113 = arith.constant 32 : i32
          %parallel_loop3A_114 = arith.addi %parallel_loop3A_102, %parallel_loop3A_113 : i32
          %parallel_loop3A_115 = arith.index_cast %parallel_loop3A_114 : i32 to index
          %parallel_loop3A_116 = tpu.vector_load %arg8[%parallel_loop3A_115] {strides = array<i32>} : memref<32768xf32, #tpu.memory_space<vmem>>, vector<16xf32>,
          %parallel_loop3A_117 = arith.constant 48 : i32
          %parallel_loop3A_118 = arith.addi %parallel_loop3A_102, %parallel_loop3A_117 : i32
          %parallel_loop3A_119 = arith.index_cast %parallel_loop3A_118 : i32 to index
          %parallel_loop3A_120 = tpu.vector_load %arg8[%parallel_loop3A_119] {strides = array<i32>} : memref<32768xf32, #tpu.memory_space<vmem>>, vector<16xf32>,
          %parallel_loop3A_121 = arith.constant 64 : i32
          %parallel_loop3A_122 = arith.addi %parallel_loop3A_102, %parallel_loop3A_121 : i32
          %parallel_loop3A_123 = arith.index_cast %parallel_loop3A_122 : i32 to index
          %parallel_loop3A_124 = tpu.vector_load %arg8[%parallel_loop3A_123] {strides = array<i32>} : memref<32768xf32, #tpu.memory_space<vmem>>, vector<16xf32>,
          %parallel_loop3A_125 = arith.constant 80 : i32
          %parallel_loop3A_126 = arith.addi %parallel_loop3A_102, %parallel_loop3A_125 : i32
          %parallel_loop3A_127 = arith.index_cast %parallel_loop3A_126 : i32 to index
          %parallel_loop3A_128 = tpu.vector_load %arg8[%parallel_loop3A_127] {strides = array<i32>} : memref<32768xf32, #tpu.memory_space<vmem>>, vector<16xf32>,
          %parallel_loop3A_129 = arith.constant 96 : i32
          %parallel_loop3A_130 = arith.addi %parallel_loop3A_102, %parallel_loop3A_129 : i32
          %parallel_loop3A_131 = arith.index_cast %parallel_loop3A_130 : i32 to index
          %parallel_loop3A_132 = tpu.vector_load %arg8[%parallel_loop3A_131] {strides = array<i32>} : memref<32768xf32, #tpu.memory_space<vmem>>, vector<16xf32>,
          %parallel_loop3A_133 = arith.constant 112 : i32
          %parallel_loop3A_134 = arith.addi %parallel_loop3A_102, %parallel_loop3A_133 : i32
          %parallel_loop3A_135 = arith.index_cast %parallel_loop3A_134 : i32 to index
          %parallel_loop3A_136 = tpu.vector_load %arg8[%parallel_loop3A_135] {strides = array<i32>} : memref<32768xf32, #tpu.memory_space<vmem>>, vector<16xf32>,
          %parallel_loop3A_137 = arith.constant 128 : i32
          %parallel_loop3A_138 = arith.addi %parallel_loop3A_102, %parallel_loop3A_137 : i32
          %parallel_loop3A_139 = arith.index_cast %parallel_loop3A_138 : i32 to index
          %parallel_loop3A_140 = tpu.vector_load %arg8[%parallel_loop3A_139] {strides = array<i32>} : memref<32768xf32, #tpu.memory_space<vmem>>, vector<16xf32>,
          %parallel_loop3A_141 = arith.constant 144 : i32
          %parallel_loop3A_142 = arith.addi %parallel_loop3A_102, %parallel_loop3A_141 : i32
          %parallel_loop3A_143 = arith.index_cast %parallel_loop3A_142 : i32 to index
          %parallel_loop3A_144 = tpu.vector_load %arg8[%parallel_loop3A_143] {strides = array<i32>} : memref<32768xf32, #tpu.memory_space<vmem>>, vector<16xf32>,
          %parallel_loop3A_145 = arith.constant 160 : i32
          %parallel_loop3A_146 = arith.addi %parallel_loop3A_102, %parallel_loop3A_145 : i32
          %parallel_loop3A_147 = arith.index_cast %parallel_loop3A_146 : i32 to index
          %parallel_loop3A_148 = tpu.vector_load %arg8[%parallel_loop3A_147] {strides = array<i32>} : memref<32768xf32, #tpu.memory_space<vmem>>, vector<16xf32>,
          %parallel_loop3A_149 = arith.constant 176 : i32
          %parallel_loop3A_150 = arith.addi %parallel_loop3A_102, %parallel_loop3A_149 : i32
          %parallel_loop3A_151 = arith.index_cast %parallel_loop3A_150 : i32 to index
          %parallel_loop3A_152 = tpu.vector_load %arg8[%parallel_loop3A_151] {strides = array<i32>} : memref<32768xf32, #tpu.memory_space<vmem>>, vector<16xf32>,
          %parallel_loop3A_153 = arith.constant 192 : i32
          %parallel_loop3A_154 = arith.addi %parallel_loop3A_102, %parallel_loop3A_153 : i32
          %parallel_loop3A_155 = arith.index_cast %parallel_loop3A_154 : i32 to index
          %parallel_loop3A_156 = tpu.vector_load %arg8[%parallel_loop3A_155] {strides = array<i32>} : memref<32768xf32, #tpu.memory_space<vmem>>, vector<16xf32>,
          %parallel_loop3A_157 = arith.constant 208 : i32
          %parallel_loop3A_158 = arith.addi %parallel_loop3A_102, %parallel_loop3A_157 : i32
          %parallel_loop3A_159 = arith.index_cast %parallel_loop3A_158 : i32 to index
          %parallel_loop3A_160 = tpu.vector_load %arg8[%parallel_loop3A_159] {strides = array<i32>} : memref<32768xf32, #tpu.memory_space<vmem>>, vector<16xf32>,
          %parallel_loop3A_161 = arith.constant 224 : i32
          %parallel_loop3A_162 = arith.addi %parallel_loop3A_102, %parallel_loop3A_161 : i32
          %parallel_loop3A_163 = arith.index_cast %parallel_loop3A_162 : i32 to index
          %parallel_loop3A_164 = tpu.vector_load %arg8[%parallel_loop3A_163] {strides = array<i32>} : memref<32768xf32, #tpu.memory_space<vmem>>, vector<16xf32>,
          %parallel_loop3A_165 = arith.constant 240 : i32
          %parallel_loop3A_166 = arith.addi %parallel_loop3A_102, %parallel_loop3A_165 : i32
          %parallel_loop3A_167 = arith.index_cast %parallel_loop3A_166 : i32 to index
          %parallel_loop3A_168 = tpu.vector_load %arg8[%parallel_loop3A_167] {strides = array<i32>} : memref<32768xf32, #tpu.memory_space<vmem>>, vector<16xf32>,
          %parallel_loop3A_169 = arith.constant 0 : i32
          %parallel_loop3A_170 = arith.addi %parallel_loop3A_104, %parallel_loop3A_169 : i32
          %parallel_loop3A_171 = arith.index_cast %parallel_loop3A_170 : i32 to index
          %parallel_loop3A_172 = tpu.vector_load %arg7[%parallel_loop3A_171] {strides = array<i32>} : memref<20480xf32, #tpu.memory_space<vmem>>, vector<16xf32>,
          tpu.vector_store %arg7[%parallel_loop3A_171], %parallel_loop3A_108 {strides = array<i32>} : memref<20480xf32, #tpu.memory_space<vmem>>, vector<16xf32>,
          %parallel_loop3A_173 = arith.constant 16 : i32
          %parallel_loop3A_174 = arith.addi %parallel_loop3A_104, %parallel_loop3A_173 : i32
          %parallel_loop3A_175 = arith.index_cast %parallel_loop3A_174 : i32 to index
          %parallel_loop3A_176 = tpu.vector_load %arg7[%parallel_loop3A_175] {strides = array<i32>} : memref<20480xf32, #tpu.memory_space<vmem>>, vector<16xf32>,
          tpu.vector_store %arg7[%parallel_loop3A_175], %parallel_loop3A_112 {strides = array<i32>} : memref<20480xf32, #tpu.memory_space<vmem>>, vector<16xf32>,
          %parallel_loop3A_177 = arith.constant 32 : i32
          %parallel_loop3A_178 = arith.addi %parallel_loop3A_104, %parallel_loop3A_177 : i32
          %parallel_loop3A_179 = arith.index_cast %parallel_loop3A_178 : i32 to index
          %parallel_loop3A_180 = tpu.vector_load %arg7[%parallel_loop3A_179] {strides = array<i32>} : memref<20480xf32, #tpu.memory_space<vmem>>, vector<16xf32>,
          tpu.vector_store %arg7[%parallel_loop3A_179], %parallel_loop3A_116 {strides = array<i32>} : memref<20480xf32, #tpu.memory_space<vmem>>, vector<16xf32>,
          %parallel_loop3A_181 = arith.constant 48 : i32
          %parallel_loop3A_182 = arith.addi %parallel_loop3A_104, %parallel_loop3A_181 : i32
          %parallel_loop3A_183 = arith.index_cast %parallel_loop3A_182 : i32 to index
          %parallel_loop3A_184 = tpu.vector_load %arg7[%parallel_loop3A_183] {strides = array<i32>} : memref<20480xf32, #tpu.memory_space<vmem>>, vector<16xf32>,
          tpu.vector_store %arg7[%parallel_loop3A_183], %parallel_loop3A_120 {strides = array<i32>} : memref<20480xf32, #tpu.memory_space<vmem>>, vector<16xf32>,
          %parallel_loop3A_185 = arith.constant 64 : i32
          %parallel_loop3A_186 = arith.addi %parallel_loop3A_104, %parallel_loop3A_185 : i32
          %parallel_loop3A_187 = arith.index_cast %parallel_loop3A_186 : i32 to index
          %parallel_loop3A_188 = tpu.vector_load %arg7[%parallel_loop3A_187] {strides = array<i32>} : memref<20480xf32, #tpu.memory_space<vmem>>, vector<16xf32>,
          tpu.vector_store %arg7[%parallel_loop3A_187], %parallel_loop3A_124 {strides = array<i32>} : memref<20480xf32, #tpu.memory_space<vmem>>, vector<16xf32>,
          %parallel_loop3A_189 = arith.constant 80 : i32
          %parallel_loop3A_190 = arith.addi %parallel_loop3A_104, %parallel_loop3A_189 : i32
          %parallel_loop3A_191 = arith.index_cast %parallel_loop3A_190 : i32 to index
          %parallel_loop3A_192 = tpu.vector_load %arg7[%parallel_loop3A_191] {strides = array<i32>} : memref<20480xf32, #tpu.memory_space<vmem>>, vector<16xf32>,
          tpu.vector_store %arg7[%parallel_loop3A_191], %parallel_loop3A_128 {strides = array<i32>} : memref<20480xf32, #tpu.memory_space<vmem>>, vector<16xf32>,
          %parallel_loop3A_193 = arith.constant 96 : i32
          %parallel_loop3A_194 = arith.addi %parallel_loop3A_104, %parallel_loop3A_193 : i32
          %parallel_loop3A_195 = arith.index_cast %parallel_loop3A_194 : i32 to index
          %parallel_loop3A_196 = tpu.vector_load %arg7[%parallel_loop3A_195] {strides = array<i32>} : memref<20480xf32, #tpu.memory_space<vmem>>, vector<16xf32>,
          tpu.vector_store %arg7[%parallel_loop3A_195], %parallel_loop3A_132 {strides = array<i32>} : memref<20480xf32, #tpu.memory_space<vmem>>, vector<16xf32>,
          %parallel_loop3A_197 = arith.constant 112 : i32
          %parallel_loop3A_198 = arith.addi %parallel_loop3A_104, %parallel_loop3A_197 : i32
          %parallel_loop3A_199 = arith.index_cast %parallel_loop3A_198 : i32 to index
          %parallel_loop3A_200 = tpu.vector_load %arg7[%parallel_loop3A_199] {strides = array<i32>} : memref<20480xf32, #tpu.memory_space<vmem>>, vector<16xf32>,
          tpu.vector_store %arg7[%parallel_loop3A_199], %parallel_loop3A_136 {strides = array<i32>} : memref<20480xf32, #tpu.memory_space<vmem>>, vector<16xf32>,
          %parallel_loop3A_201 = arith.constant 128 : i32
          %parallel_loop3A_202 = arith.addi %parallel_loop3A_104, %parallel_loop3A_201 : i32
          %parallel_loop3A_203 = arith.index_cast %parallel_loop3A_202 : i32 to index
          %parallel_loop3A_204 = tpu.vector_load %arg7[%parallel_loop3A_203] {strides = array<i32>} : memref<20480xf32, #tpu.memory_space<vmem>>, vector<16xf32>,
          tpu.vector_store %arg7[%parallel_loop3A_203], %parallel_loop3A_140 {strides = array<i32>} : memref<20480xf32, #tpu.memory_space<vmem>>, vector<16xf32>,
          %parallel_loop3A_205 = arith.constant 144 : i32
          %parallel_loop3A_206 = arith.addi %parallel_loop3A_104, %parallel_loop3A_205 : i32
          %parallel_loop3A_207 = arith.index_cast %parallel_loop3A_206 : i32 to index
          %parallel_loop3A_208 = tpu.vector_load %arg7[%parallel_loop3A_207] {strides = array<i32>} : memref<20480xf32, #tpu.memory_space<vmem>>, vector<16xf32>,
          tpu.vector_store %arg7[%parallel_loop3A_207], %parallel_loop3A_144 {strides = array<i32>} : memref<20480xf32, #tpu.memory_space<vmem>>, vector<16xf32>,
          %parallel_loop3A_209 = arith.constant 160 : i32
          %parallel_loop3A_210 = arith.addi %parallel_loop3A_104, %parallel_loop3A_209 : i32
          %parallel_loop3A_211 = arith.index_cast %parallel_loop3A_210 : i32 to index
          %parallel_loop3A_212 = tpu.vector_load %arg7[%parallel_loop3A_211] {strides = array<i32>} : memref<20480xf32, #tpu.memory_space<vmem>>, vector<16xf32>,
          tpu.vector_store %arg7[%parallel_loop3A_211], %parallel_loop3A_148 {strides = array<i32>} : memref<20480xf32, #tpu.memory_space<vmem>>, vector<16xf32>,
          %parallel_loop3A_213 = arith.constant 176 : i32
          %parallel_loop3A_214 = arith.addi %parallel_loop3A_104, %parallel_loop3A_213 : i32
          %parallel_loop3A_215 = arith.index_cast %parallel_loop3A_214 : i32 to index
          %parallel_loop3A_216 = tpu.vector_load %arg7[%parallel_loop3A_215] {strides = array<i32>} : memref<20480xf32, #tpu.memory_space<vmem>>, vector<16xf32>,
          tpu.vector_store %arg7[%parallel_loop3A_215], %parallel_loop3A_152 {strides = array<i32>} : memref<20480xf32, #tpu.memory_space<vmem>>, vector<16xf32>,
          %parallel_loop3A_217 = arith.constant 192 : i32
          %parallel_loop3A_218 = arith.addi %parallel_loop3A_104, %parallel_loop3A_217 : i32
          %parallel_loop3A_219 = arith.index_cast %parallel_loop3A_218 : i32 to index
          %parallel_loop3A_220 = tpu.vector_load %arg7[%parallel_loop3A_219] {strides = array<i32>} : memref<20480xf32, #tpu.memory_space<vmem>>, vector<16xf32>,
          tpu.vector_store %arg7[%parallel_loop3A_219], %parallel_loop3A_156 {strides = array<i32>} : memref<20480xf32, #tpu.memory_space<vmem>>, vector<16xf32>,
          %parallel_loop3A_221 = arith.constant 208 : i32
          %parallel_loop3A_222 = arith.addi %parallel_loop3A_104, %parallel_loop3A_221 : i32
          %parallel_loop3A_223 = arith.index_cast %parallel_loop3A_222 : i32 to index
          %parallel_loop3A_224 = tpu.vector_load %arg7[%parallel_loop3A_223] {strides = array<i32>} : memref<20480xf32, #tpu.memory_space<vmem>>, vector<16xf32>,
          tpu.vector_store %arg7[%parallel_loop3A_223], %parallel_loop3A_160 {strides = array<i32>} : memref<20480xf32, #tpu.memory_space<vmem>>, vector<16xf32>,
          %parallel_loop3A_225 = arith.constant 224 : i32
          %parallel_loop3A_226 = arith.addi %parallel_loop3A_104, %parallel_loop3A_225 : i32
          %parallel_loop3A_227 = arith.index_cast %parallel_loop3A_226 : i32 to index
          %parallel_loop3A_228 = tpu.vector_load %arg7[%parallel_loop3A_227] {strides = array<i32>} : memref<20480xf32, #tpu.memory_space<vmem>>, vector<16xf32>,
          tpu.vector_store %arg7[%parallel_loop3A_227], %parallel_loop3A_164 {strides = array<i32>} : memref<20480xf32, #tpu.memory_space<vmem>>, vector<16xf32>,
          %parallel_loop3A_229 = arith.constant 240 : i32
          %parallel_loop3A_230 = arith.addi %parallel_loop3A_104, %parallel_loop3A_229 : i32
          %parallel_loop3A_231 = arith.index_cast %parallel_loop3A_230 : i32 to index
          %parallel_loop3A_232 = tpu.vector_load %arg7[%parallel_loop3A_231] {strides = array<i32>} : memref<20480xf32, #tpu.memory_space<vmem>>, vector<16xf32>,
          tpu.vector_store %arg7[%parallel_loop3A_231], %parallel_loop3A_168 {strides = array<i32>} : memref<20480xf32, #tpu.memory_space<vmem>>, vector<16xf32>,
        } {sc.loop_unroll_factor = 2 : i64, sc.parallel_access}
        %mul3A_79 = arith.constant 32 : i32
        %mul3A_80 = arith.muli %add3A_58, %mul3A_79 : i32
        %add3A_81 = arith.addi %add3A, %mul3A_80 : i32
        %mul3A_82 = arith.constant 20480 : i32
        %mul3A_83 = arith.muli %add3A_81, %mul3A_82 : i32
        %dma_start3A_84 = tpu.memref_slice %arg4[%mul3A_83] : memref<25600000xf32, #tpu.memory_space<hbm>> -> memref<20480xf32, #tpu.memory_space<hbm>>
        %dma_start3A_85 = tpu.memref_slice %arg4[%mul3A_83] : memref<25600000xf32, #tpu.memory_space<hbm>> -> memref<20480xf32, #tpu.memory_space<hbm>>
        tpu.enqueue_dma source(%arg7 : memref<20480xf32, #tpu.memory_space<vmem>>) target(%dma_start3A_85 : memref<20480xf32, #tpu.memory_space<hbm>>) target_semaphore(%arg15 : memref<!tpu.dma_semaphore, #tpu.memory_space<semaphore_mem>>)
        %add3A_86 = arith.constant 2 : i32
        %add3A_87 = arith.addi %add3A_58, %add3A_86 : i32
        %mul3A_88 = arith.constant 32 : i32
        %mul3A_89 = arith.muli %add3A_87, %mul3A_88 : i32
        %add3A_90 = arith.addi %add3A, %mul3A_89 : i32
        %lt3A_91 = arith.constant 1250 : i32
        %lt3A_92 = arith.cmpi slt, %add3A_90, %lt3A_91 : i32
        %convert_element_type3A_93 = arith.extui %lt3A_92 : i1 to i32
        %cond3A_94 = arith.constant 0 : i32
        %cond3A_95 = arith.cmpi ne, %convert_element_type3A_93, %cond3A_94 : i32
        scf.if %cond3A_95 {
          %add3A_96 = arith.constant 2 : i32
          %add3A_97 = arith.addi %add3A_58, %add3A_96 : i32
          %mul3A_98 = arith.constant 32 : i32
          %mul3A_99 = arith.muli %add3A_97, %mul3A_98 : i32
          %add3A_100 = arith.addi %add3A, %mul3A_99 : i32
          %mul3A_101 = arith.constant 80 : i32
          %mul3A_102 = arith.muli %add3A_100, %mul3A_101 : i32
          %dma_start3A_103 = arith.constant 1 : i32
          %dma_start3A_104 = arith.constant 0 : i32
          %dma_start3A_105 = tpu.memref_slice %arg5[%dma_start3A_103, %dma_start3A_104] : memref<2x80xi32, #tpu.memory_space<smem>> -> memref<1x80xi32, #tpu.memory_space<smem>>
          %dma_start3A_106 = tpu.memref_squeeze %dma_start3A_105 : memref<1x80xi32, #tpu.memory_space<smem>> -> memref<80xi32, #tpu.memory_space<smem>>
          %dma_start3A_107 = tpu.memref_slice %arg9[%mul3A_102] : memref<100000xi32, #tpu.memory_space<vmem_shared>> -> memref<80xi32, #tpu.memory_space<vmem_shared>>
          tpu.enqueue_dma source(%dma_start3A_107 : memref<80xi32, #tpu.memory_space<vmem_shared>>) target(%dma_start3A_106 : memref<80xi32, #tpu.memory_space<smem>>) target_semaphore(%arg13 : memref<!tpu.dma_semaphore, #tpu.memory_space<semaphore_mem>>)
        } else {
        }
      } else {
      }
    }
    %scan3A_34 = arith.constant 20 : i32
    %dma_wait3A = arith.constant 0 : i32
    %dma_wait3A_35 = tpu.memref_slice %arg4[%dma_wait3A] : memref<25600000xf32, #tpu.memory_space<hbm>> -> memref<20480xf32, #tpu.memory_space<hbm>>
    %dma_wait3A_36 = arith.constant 0 : i32
    %dma_wait3A_37 = tpu.memref_slice %arg4[%dma_wait3A_36] : memref<25600000xf32, #tpu.memory_space<hbm>> -> memref<20480xf32, #tpu.memory_space<hbm>>
    tpu.wait_dma2 semaphore(%arg14 : memref<!tpu.dma_semaphore, #tpu.memory_space<semaphore_mem>>) src(%arg6 : memref<20480xf32, #tpu.memory_space<vmem>>) dst(%dma_wait3A_37 : memref<20480xf32, #tpu.memory_space<hbm>>)
    %dma_wait3A_38 = arith.constant 0 : i32
    %dma_wait3A_39 = tpu.memref_slice %arg4[%dma_wait3A_38] : memref<25600000xf32, #tpu.memory_space<hbm>> -> memref<20480xf32, #tpu.memory_space<hbm>>
    %dma_wait3A_40 = arith.constant 0 : i32
    %dma_wait3A_41 = tpu.memref_slice %arg4[%dma_wait3A_40] : memref<25600000xf32, #tpu.memory_space<hbm>> -> memref<20480xf32, #tpu.memory_space<hbm>>
    tpu.wait_dma2 semaphore(%arg15 : memref<!tpu.dma_semaphore, #tpu.memory_space<semaphore_mem>>) src(%arg7 : memref<20480xf32, #tpu.memory_space<vmem>>) dst(%dma_wait3A_41 : memref<20480xf32, #tpu.memory_space<hbm>>)
    return
  }
}

module attributes {stable_mosaic.version = 14 : i64} {
  func.func @_fuse_body(%arg0: memref<128x128xf32, #tpu.memory_space<vmem>>, %arg1: memref<128x256xf32, #tpu.memory_space<vmem>>, %arg2: memref<1x256xf32, #tpu.memory_space<vmem>>, %arg3: memref<128x256xf32, #tpu.memory_space<vmem>>) attributes {dimension_semantics = [], scalar_prefetch = 0 : i64, scratch_operands = 0 : i64, tpu.core_type = #tpu.core_type<tc>} {
    %get3A = arith.constant 0 : index
    %get3A_0 = arith.constant 0 : index
    %get3A_1 = vector.load %arg0[%get3A, %get3A_0] : memref<128x128xf32, #tpu.memory_space<vmem>>, vector<128x128xf32>
    %get3A_2 = arith.constant 0 : index
    %get3A_3 = arith.constant 0 : index
    %get3A_4 = vector.load %arg1[%get3A_2, %get3A_3] : memref<128x256xf32, #tpu.memory_space<vmem>>, vector<128x256xf32>
    %dot_general3A = arith.constant dense<0.000000e+00> : vector<128x256xf32>
    %dot_general3A_5 = tpu.matmul %get3A_1, %get3A_4, %dot_general3A {dimension_numbers = #tpu.dot_dimension_numbers<[1], [0], [0], [1], [0, 0, 1, 1], [], []>, transpose_lhs_hint = false} : vector<128x128xf32>, vector<128x256xf32>, vector<128x256xf32> -> vector<128x256xf32>
    %get3A_6 = arith.constant 0 : index
    %get3A_7 = arith.constant 0 : index
    %get3A_8 = vector.load %arg2[%get3A_6, %get3A_7] : memref<1x256xf32, #tpu.memory_space<vmem>>, vector<1x256xf32>
    %add3A = vector.broadcast %get3A_8 : vector<1x256xf32> to vector<128x256xf32>
    %add3A_9 = arith.addf %dot_general3A_5, %add3A : vector<128x256xf32>
    %swap3A = arith.constant 0 : index
    %swap3A_10 = arith.constant 0 : index
    %swap3A_11 = vector.load %arg3[%swap3A, %swap3A_10] : memref<128x256xf32, #tpu.memory_space<vmem>>, vector<128x256xf32>
    tpu.vector_store %arg3[%swap3A, %swap3A_10], %add3A_9 {strides = array<i32>} : memref<128x256xf32, #tpu.memory_space<vmem>>, vector<128x256xf32>,
    return
  }
}

</mosaic_0001>

<sc_bundles>
// kernel: kernel.4.cloned.1.call-start
scs
__scs_entry_jumppad:
0x0: {  	(pc) =	sbr.rel $0x88, $3  }
0x1: {  	(tag) =	ssettag $0x0;
	lr =	simm.s32 $0x1  }
0x2: {  	[smem:$0x3F9D] =	sst lr;
	_ =	strace $0xD0000000  }
0x3: {  	_ = 	snop  }
0x4: {  	_ = 	snop  }
0x5: {  	_ = 	snop  }
0x6: {  	_ = 	snop  }
0x7: {  	_ = 	snop  }
__scs_overlays_trampoline_lowered:
0x8: {  	[smem:$0x3FAC] =	sst s0  }
0x9: {  	[smem:$0x3FAD] =	sst s1  }
0xa: {  	[smem:$0x3FAE] =	sst s2  }
0xb: {  	[smem:$0x3FAF] =	sst s3  }
0xc: {  	[smem:$0x3FB0] =	sst s4  }
0xd: {  	[smem:$0x3FB1] =	sst s5  }
0xe: {  	[smem:$0x3FB2] =	sst s6  }
0xf: {  	[smem:$0x3FB3] =	sst s7  }
0x10: {  	[smem:$0x3FB4] =	sst s8  }
0x11: {  	[smem:$0x3FB5] =	sst s9;
	s0 =	simm.s32 @!p0 $0x0  }
0x12: {  	s1 =	sld [smem:$0x3F9B];
	s0 =	simm.s32 @p0 $0x1  }
0x13: {  	[smem:$0x3FB6] =	sst s0;
	s0 =	simm.s32 @!p1 $0x0  }
0x14: {  	s2 =	sld [smem:$0x3F9A];
	s0 =	simm.s32 @p1 $0x1  }
0x15: {  	[smem:$0x3FB7] =	sst s0;
	s0 =	simm.s32 @!p2 $0x0  }
0x16: {  	s3 =	sld [smem:$0x3FDB];
	s0 =	simm.s32 @p2 $0x1  }
0x17: {  	s4 =	simm.s32 $0x1BF5;
	[smem:$0x3FB9] =	sst s0  }
0x18: {  	s0 =	sld [smem:$0x3F9C];
	_ =	swait.ge [sflag:s4], $0x0  }
0x19: {  	s7 =	sld [smem:$0x3F9D]  }
0x1a: {  	s8 =	sadd.s32 $0xFFFFE003, lr  }
0x1b: {  	s9 =	sadd.s32 $0xFFFFFEF7, lr;
	s5 =	simm.s32 $0xFFFFFFFF;
	p2 =	slt.u32 s8, $0xFFFFF086  }
0x1c: {  	p1 =	slt.u32 s9, $0xF7A;
	s5 =	simm.s32 @!p2 $0x0  }
0x1d: {  	s5 =	simm.s32 @p1 $0x1;
	p0 =	seq.s32 s7, s2  }
0x1e: {  	s7 =	smul.u32 @!p0 $0xF7A, s2;
	p2 =	seq.s32 @!p0 s5, $0x0  }
0x1f: {  	s9 =	smul.u32 $0xF7A, s1;
	s8 =	simm.s32 @!p0 $0x1BF5;
	p2 =	por !p2, p0  }
0x20: {  	[sflag:s8] =	ssyncset.s32 @!p0 $0xFFFFF086;
	s6 =	sadd.s32 @!p0 s3, s7;
	s7 =	simm.s32 @!p0 $0x108  }
0x21: {  	s3 =	sadd.s32 s3, s9;
	s6 =	sadd.s32 @!p0 $0x88, s6;
	s7 =	simm.s32 @p2 $0x1082  }
0x22: {  	[simem:s7], [sflag:s8] =	dma.local @!p0 [hbm:s6], $0xF7A  }
0x23: {  	s9 =	sor.u32 $0xD0000000, s2;
	s6 =	simm.s32 $0x108;
	_ =	swait.ge @!p0 [sflag:s8], $0x0  }
0x24: {  	s3 =	sadd.s32 $0x88, s3;
	s6 =	simm.s32 @!p1 $0x1082;
	[sflag:s4] =	ssyncset.s32 $0xFFFFF086  }
0x25: {  	[simem:s6], [sflag:s4] =	dma.local [hbm:s3], $0xF7A  }
0x26: {  	[smem:$0x3F9D] =	sst s1;
	(tag) =	ssettag s2;
	_ =	strace s9  }
0x27: {  	s1 =	sld [smem:$0x3FAD]  }
0x28: {  	s2 =	sld [smem:$0x3FAE]  }
0x29: {  	s4 =	sld [smem:$0x3FB0]  }
0x2a: {  	p0 =	seq.s32 s5, $0x0;
	s5 =	sld [smem:$0x3FB1]  }
0x2b: {  	s6 =	sld [smem:$0x3FB2]  }
0x2c: {  	s7 =	sld [smem:$0x3FB3]  }
0x2d: {  	s3 =	simm.s32 $0x108;
	s8 =	sld [smem:$0x3FB4]  }
0x2e: {  	s3 =	simm.s32 @!p0 $0x1082;
	s9 =	sld [smem:$0x3FB5]  }
0x2f: {  	lr =	sadd.s32 s0, s3;
	s0 =	sld [smem:$0x3FAC]  }
0x30: {  	s3 =	sld [smem:$0x3FAF]  }
0x31: {  	[smem:$0x3FB8] =	sst s10  }
0x32: {  	s10 =	sld [smem:$0x3FB6];
	_ =	sdelay $0x3  }
0x33: {  	p0 =	seq.s32 s10, $0x1;
	s10 =	sld [smem:$0x3FB8];
	_ =	sdelay $0x3  }
0x34: {  	[smem:$0x3FB8] =	sst s10  }
0x35: {  	s10 =	sld [smem:$0x3FB7];
	_ =	sdelay $0x3  }
0x36: {  	p1 =	seq.s32 s10, $0x1;
	s10 =	sld [smem:$0x3FB8];
	_ =	sdelay $0x3  }
0x37: {  	[smem:$0x3FB8] =	sst s10  }
0x38: {  	s10 =	sld [smem:$0x3FB9]  }
0x39: {  	_ = 	snop;
	(pc) =	sbr.ind lr, $3  }
0x3a: {  	_ = 	snop  }
0x3b: {  	_ = 	snop  }
0x3c: {  	p2 =	seq.s32 s10, $0x1;
	s10 =	sld [smem:$0x3FB8]  }
0x3d: {  	_ =	shalt  }
0x3e: {  	_ =	shalt  }
0x3f: {  	_ =	shalt  }
0x40: {  	_ =	shalt  }
0x41: {  	_ =	shalt  }
0x42: {  	_ =	shalt  }
0x43: {  	_ =	shalt  }
0x44: {  	_ =	shalt  }
0x45: {  	_ =	shalt  }
0x46: {  	_ =	shalt  }
0x47: {  	_ =	shalt  }
0x48: {  	_ =	shalt  }
0x49: {  	_ =	shalt  }
0x4a: {  	_ =	shalt  }
0x4b: {  	_ =	shalt  }
0x4c: {  	_ =	shalt  }
0x4d: {  	_ =	shalt  }
0x4e: {  	_ =	shalt  }
0x4f: {  	_ =	shalt  }
0x50: {  	_ =	shalt  }
0x51: {  	_ =	shalt  }
0x52: {  	_ =	shalt  }
0x53: {  	_ =	shalt  }
0x54: {  	_ =	shalt  }
0x55: {  	_ =	shalt  }
0x56: {  	_ =	shalt  }
0x57: {  	_ =	shalt  }
0x58: {  	_ =	shalt  }
0x59: {  	_ =	shalt  }
0x5a: {  	_ =	shalt  }
0x5b: {  	_ =	shalt  }
0x5c: {  	_ =	shalt  }
0x5d: {  	_ =	shalt  }
0x5e: {  	_ =	shalt  }
0x5f: {  	_ =	shalt  }
0x60: {  	_ =	shalt  }
0x61: {  	_ =	shalt  }
0x62: {  	_ =	shalt  }
0x63: {  	_ =	shalt  }
0x64: {  	_ =	shalt  }
0x65: {  	_ =	shalt  }
0x66: {  	_ =	shalt  }
0x67: {  	_ =	shalt  }
0x68: {  	_ =	shalt  }
0x69: {  	_ =	shalt  }
0x6a: {  	_ =	shalt  }
0x6b: {  	_ =	shalt  }
0x6c: {  	_ =	shalt  }
0x6d: {  	_ =	shalt  }
0x6e: {  	_ =	shalt  }
0x6f: {  	_ =	shalt  }
0x70: {  	_ =	shalt  }
0x71: {  	_ =	shalt  }
0x72: {  	_ =	shalt  }
0x73: {  	_ =	shalt  }
0x74: {  	_ =	shalt  }
0x75: {  	_ =	shalt  }
0x76: {  	_ =	shalt  }
0x77: {  	_ =	shalt  }
0x78: {  	_ =	shalt  }
0x79: {  	_ =	shalt  }
0x7a: {  	_ =	shalt  }
0x7b: {  	_ =	shalt  }
0x7c: {  	_ =	shalt  }
0x7d: {  	_ =	shalt  }
0x7e: {  	_ =	shalt  }
0x7f: {  	_ =	shalt  }
0x80: {  	_ =	shalt  }
0x81: {  	_ =	shalt  }
0x82: {  	_ =	shalt  }
0x83: {  	_ =	shalt  }
0x84: {  	_ =	shalt  }
0x85: {  	_ =	shalt  }
0x86: {  	_ =	shalt  }
0x87: {  	_ =	shalt  }
.Lfunc_end0:
.L_simem_size_0:
called_computation_lowered:
.L_overlay_start_0:
0x88: {  	s2 =	sld [smem:$0x3FD9]  }
0x89: {  	s3 =	sld [smem:$0x3FFE];
	_ =	sdelay $0x1  }
0x8a: {  	s1 =	srdreg.scid  }
0x8b: {  	s0 =	sand.u32 $0x1, s1  }
0x8c: {  	s17 =	sshll.u32 s0, $0xA;
	s2 =	sadd.s32 s3, s2  }
0x8d: {  	s2 =	sadd.s32 s2, s17  }
0x8e: {  	[smem:$0x3FC4] =	sst s2  }
0x8f: {  	_ = 	snop  }
0x90: {  	s2 =	sld [smem:$0x3FC9]  }
0x91: {  	s18 =	sld [smem:$0x3FD0];
	(tm) =	ssettm $0x1  }
0x92: {  	s4 =	sld [smem:$0x3FFB];
	_ =	sdelay $0x3  }
0x93: {  	_ =	strace s4  }
0x94: {  	s4 =	sld [smem:$0x3FFC];
	_ =	sdelay $0x3  }
0x95: {  	_ =	strace s4  }
0x96: {  	s4 =	sld [smem:$0x3FFD];
	_ =	sdelay $0x3  }
0x97: {  	_ =	strace s4  }
0x98: {  	_ =	strace $0x8FFFFFFF  }
0x99: {  	s19 =	sld [smem:$0x3FDB];
	_ =	sdelay $0x1  }
0x9a: {  	s5 =	simm.s32 $_scs_section_size  }
0x9b: {  	s6 =	simm.s32 $_size__tile_overlayer_lowered;
	s7 =	simm.s32 $_tile_overlayer_lowered  }
0x9c: {  	s22 =	simm.s32 $0x1BFF;
	s21 =	sshll.u32 s7, $0x1;
	s4 =	sadd.s32 s5, s19  }
0x9d: {  	s8 =	simm.s32 $0x0;
	s20 =	sshll.u32 s6, $0x1;
	s6 =	sadd.s32 s21, s4  }
0x9e: {  	[timem:s8], [sflag:s22] =	dma.local [hbm:s6], s20  }
0x9f: {  	_ =	swait.ge [sflag:s22], s20  }
0xa0: {  	s5 =	ssub.s32 $0x0, s20;
	[sflag:s22] =	ssyncset.done $0x0  }
0xa1: {  	[sflag:s22] =	ssyncadd.s32 s5;
	_ =	sdelay $0x1  }
0xa2: {  	s23 =	simm.s32 $0x1B8B  }
0xa3: {  	_ =	swait.ge [sflag:s23], $0x1  }
0xa4: {  	[sflag:s23] =	ssyncset.done $0x0  }
0xa5: {  	s25 =	simm.s32 $0x1B8E;
	s24 =	sld [smem:$0x3FFE];
	[sflag:s23] =	ssyncadd.s32 $0xFFFFFFFF  }
0xa6: {  	s26 =	simm.s32 $execute0_lowered;
	[smem:$0x3FD2] =	sst s25  }
0xa7: {  	s6 =	sshll.u32 s26, $0x1;
	_ =	strace $0x80000046;
	[dreg:$0x1] =	wrdreg $0xFFFFFFFF  }
0xa8: {  	s28 =	simm.s32 $_size_execute0_lowered;
	s4 =	sadd.s32 s4, s6;
	[dreg:$0x0] =	wrdreg $0x0  }
0xa9: {  	s6 =	sshll.u32 s28, $0x1;
	[dreg:$0x2] =	wrdreg s4  }
0xaa: {  	[dreg:$0x3] =	wrdreg s6  }
0xab: {  	[dreg:$0x4] =	wrdreg $0xC0  }
0xac: {  	_ =	task [dreg:s8], $0x5FFFF  }
0xad: {  	[dreg:$0x1] =	wrdreg $0xFFFFFFFF  }
0xae: {  	[dreg:$0x0] =	wrdreg $0x60  }
0xaf: {  	[dreg:$0x2] =	wrdreg s2  }
0xb0: {  	[dreg:$0x3] =	wrdreg s18  }
0xb1: {  	[dreg:$0x4] =	wrdreg s24  }
0xb2: {  	[dreg:$0x5] =	wrdreg $0x138700  }
0xb3: {  	[dreg:$0x6] =	wrdreg $0x120000  }
0xb4: {  	[dreg:$0x7] =	wrdreg $0x9  }
0xb5: {  	_ =	task.clear_ibuf [dreg:s8], $0x8FFFF;
	_ =	strace $0x90000046  }
0xb6: {  	s29 =	simm.s32 $0x9;
	_ =	strace $0x80000048  }
0xb7: {  	_ =	swait.ge [sflag:s29], $0x1  }
0xb8: {  	[sflag:s29] =	ssyncadd.s32 $0xFFFFFFFF  }
0xb9: {  	_ =	strace $0x90000048  }
0xba: {  	_ =	sfence  }
0xbb: {  	s30 =	sld [smem:$0x0];
	_ =	sdelay $0x2  }
0xbc: {  	s31 =	sshll.u32 s1, $0xD;
	s1 =	sshrl.u32 s1, $0x2  }
0xbd: {  	s3 =	sand.u32 $0x4000, s31;
	s1 =	sadd.s32 s1, s30  }
0xbe: {  	s0 =	sor.u32 s3, s0;
	s1 =	sshll.u32 s1, $0x11  }
0xbf: {  	s0 =	sor.u32 s1, s0  }
0xc0: {  	s0 =	sadd.s32 $0x8F2B, s0  }
0xc1: {  	[sflag:s0] =	ssyncadd.remote.s32 $0x1  }
0xc2: {  	_ =	sfence.sel $0xFFFF  }
0xc3: {  	[dreg:$0x0] =	wrdreg $0xFFFFFFFF;
	(pc) =	sbr.abs _section_cstart, $3  }
0xc4: {  	[dreg:$0x1] =	wrdreg $0xFFFFFFFF  }
0xc5: {  	_ =	task.clear_ibuf [dreg:s8], $0x2FFFF;
	_ =	strace $0x9FFFFFFF  }
0xc6: {  	(tm) =	ssettm $0x7FFFFFFF  }
0xc7: {  	_ =	shalt  }
tec
execute0_lowered:
.L_overlay_start_1:
0x0: {  	(tag) =	ssettag $0x1  }
0x1: {  	s0 =	rddreg [dreg:$0x0]  }
0x2: {  	s1 =	rddreg [dreg:$0x2]  }
0x3: {  	s2 =	rddreg [dreg:$0x3]  }
0x4: {  	s3 =	rddreg [dreg:$0x4];
	s5 =	simm.s32 $0x0;
	s4 =	srdreg.scid  }
0x5: {  	s13 =	stileid.u32;
	s19 =	simm.s32 $0x5;
	s21 =	simm.s32 $0x1  }
0x6: {  	s22 =	simm.s32 $0x2;
	s23 =	simm.s32 $0x5000;
	s24 =	simm.s32 $0x3  }
0x7: {  	s25 =	simm.s32 $0x4;
	s26 =	simm.s32 $0x0;
	[smem:$0x7FF] =	sst s5  }
0x8: {  	s4 =	sand.u32 $0x1, s4;
	s6 =	sshll.u32 s13, $0x1;
	s29 =	smul.u32 $0x1870, s13  }
0x9: {  	s7 =	sadd.s32 $0x600, s1;
	p0 =	seq.s32 s13, $0xF;
	s20 =	smov.u32 s2  }
0xa: {  	_ =	strace $0x80000047;
	s8 =	ssub.s32 $0x2, s4;
	s6 =	sor.u32 s4, s6  }
0xb: {  	p1 =	sne.s32 @!p0 s13, $0x0;
	s9 =	sshrl.u32 s8, $0x1;
	s11 =	smul.u32 $0x140, s6  }
.Ltmp0:
0xc: {  	s10 =	sshrl.u32 s29, $0x3;
	s14 =	sor.u32 $0x40, s6;
	(pc) =	sbr.rel .LBB2_1-.Ltmp0, $4  }
0xd: {  	p1 =	por p1, p0;
	s15 =	sor.u32 $0x60, s6;
	s30 =	ssub.s32 s8, s9  }
0xe: {  	s8 =	sadd.s32 $0x2DD2, s0;
	s9 =	sadd.s32 $0x16E90, s3;
	s31 =	sshrl.u32 s11, $0x2  }
0xf: {  	s10 =	sadd.s32 s0, s10;
	s17 =	sshrl.u32 @!p1 s2, $0x3;
	s12 =	sadd.s32 s31, s3  }
0x10: {  	s11 =	sadd.s32 s29, s3;
	s16 =	smax.u32 s30, $0x1;
	s13 =	sadd.s32 $0xA00, s12  }
.LBB2_9:
0x11: {  	s26 =	sadd.s32 $0x1, s26  }
0x12: {  	_ =	swait.ge [sflag:s24], $0x5000;
	p2 =	sne.s32 s26, s16  }
.Ltmp1:
0x13: {  	[sflag:s24] =	ssyncset.done $0x0;
	(pc) =	sbr.rel @!p2 .LBB2_10-.Ltmp1, $4  }
0x14: {  	[sflag:s24] =	ssyncadd.s32 $0xFFFFB000  }
0x15: {  	_ =	swait.ge [sflag:s25], $0x5000  }
0x16: {  	[sflag:s25] =	ssyncset.done $0x0  }
0x17: {  	[sflag:s25] =	ssyncadd.s32 $0xFFFFB000  }
.LBB2_1:
0x18: {  	s0 =	simm.s32 @p0 $0x0;
	s1 =	simm.s32 @p0 $0x14070  }
0x19: {  	[tilespmem:s1], [sflag:$0x5] =	stream.linear.gather @p0 [hbm4b:s8+s0], $0x1810, $0x38;
	[tilespmem:$0x158F0] =	vst v63  }
0x1a: {  	s0 =	simm.s32 @p0 $0x5  }
0x1b: {  	_ =	swait.ge @p0 [sflag:s0], $0x1810  }
0x1c: {  	[sflag:s0] =	ssyncset.done @p0 $0x0  }
0x1d: {  	[sflag:s0] =	ssyncadd.s32 @p0 $0xFFFFE7F0  }
0x1e: {  	[spmem:s9] =	stream.linear.scatter @p0 [tilespmem:s1], [sflag:$0x5], $0x1810, $0x38;
	[tilespmem:$0x158F0] =	vst v63  }
0x1f: {  	_ =	swait.ge @p0 [sflag:s0], $0x1810  }
0x20: {  	[sflag:s0] =	ssyncset.done @p0 $0x0  }
0x21: {  	[sflag:s0] =	ssyncadd.s32 @p0 $0xFFFFE7F0  }
0x22: {  	s0 =	simm.s32 @!p1 $0x1C05;
	s1 =	rddreg [dreg:$0x1]  }
0x23: {  	[spmem:s17], [sflag:s0] =	dma.local @!p1 [hbm:s1], $0x1000  }
0x24: {  	s0 =	simm.s32 @!p1 $0x5  }
0x25: {  	_ =	swait.ge @!p1 [sflag:s0], $0x1000  }
0x26: {  	[sflag:s0] =	ssyncset.done @!p1 $0x0  }
0x27: {  	s1 =	simm.s32 @!p0 $0x14070;
	[sflag:s0] =	ssyncadd.s32 @!p1 $0xFFFFF000;
	s0 =	simm.s32 @!p0 $0x0  }
0x28: {  	[tilespmem:s1], [sflag:$0x5] =	stream.linear.gather @!p0 [hbm4b:s10+s0], $0x1870, $0x38;
	[tilespmem:$0x158F0] =	vst v63  }
0x29: {  	s0 =	simm.s32 @!p0 $0x5  }
0x2a: {  	_ =	swait.ge @!p0 [sflag:s0], $0x1870  }
0x2b: {  	[sflag:s0] =	ssyncset.done @!p0 $0x0  }
0x2c: {  	[sflag:s0] =	ssyncadd.s32 @!p0 $0xFFFFE790  }
0x2d: {  	[spmem:s11] =	stream.linear.scatter @!p0 [tilespmem:s1], [sflag:$0x5], $0x1870, $0x38;
	[tilespmem:$0x158F0] =	vst v63  }
0x2e: {  	_ =	swait.ge @!p0 [sflag:s0], $0x1870  }
0x2f: {  	[sflag:s0] =	ssyncset.done @!p0 $0x0  }
0x30: {  	[sflag:s0] =	ssyncadd.s32 @!p0 $0xFFFFE790  }
0x31: {  	s30 =	simm.s32 $0xA000;
	[bflag:$0x0] =	sbarrier.arrive $0xFFFF  }
0x32: {  	[tilespmem:s30], [sflag:$0x5] =	stream.linear.gather [spmem:s20], $0x8000, $0x38;
	[tilespmem:$0x158F0] =	vst v63  }
0x33: {  	_ =	swait.ge [sflag:s19], $0x8000  }
0x34: {  	[sflag:s19] =	ssyncset.done $0x0  }
.Ltmp2:
0x35: {  	[sflag:s19] =	ssyncadd.s32 $0xFFFF8000;
	(pc) =	sbr.rel .LBB2_2-.Ltmp2, $4  }
0x36: {  	[bflag:$0x0] =	sbarrier.arrive $0xFFFF  }
0x37: {  	[smem:s5], [sflag:$0x1] =	stream.linear.gather [spmem:s12], $0x50, $0x38;
	[tilespmem:$0x158F0] =	vst v63  }
0x38: {  	s31 =	simm.s32 $0x80;
	s28 =	simm.s32 $0x0  }
0x39: {  	[smem:s31], [sflag:$0x2] =	stream.linear.gather [spmem:s13], $0x50, $0x38;
	[tilespmem:$0x158F0] =	vst v63  }
.LBB2_8:
0x3a: {  	s28 =	sadd.s32 $0x1, s28  }
0x3b: {  	p2 =	sne.s32 s28, $0x14  }
.Ltmp3:
0x3c: {  	_ = 	snop;
	(pc) =	sbr.rel @!p2 .LBB2_9-.Ltmp3, $1  }
0x3d: {  	_ =	sdelay $0x3  }
.LBB2_2:
0x3e: {  	_ =	swait.ge [sflag:s21], $0x50  }
0x3f: {  	p2 =	seq.s32 s28, $0x0;
	[sflag:s21] =	ssyncset.done $0x0  }
0x40: {  	s0 =	simm.s32 @!p2 $0x3;
	[sflag:s21] =	ssyncadd.s32 $0xFFFFFFB0  }
0x41: {  	_ =	swait.ge @!p2 [sflag:s0], $0x5000  }
0x42: {  	[sflag:s0] =	ssyncset.done @!p2 $0x0  }
0x43: {  	[sflag:s0] =	ssyncadd.s32 @!p2 $0xFFFFB000  }
0x44: {  	s0 =	sld [smem:$0x1];
	_ =	sdelay $0x2  }
0x45: {  	s0 =	sshll.u32 s0, $0xA  }
0x46: {  	s0 =	sshra.s32 s0, $0x2  }
0x47: {  	s1 =	sld [smem:$0x0];
	v2 =	vld [tilespmem:s0+$0xA000]  }
0x48: {  	v5 =	vld [tilespmem:s0+$0xA010]  }
0x49: {  	v6 =	vld [tilespmem:s0+$0xA020]  }
0x4a: {  	v8 =	vld [tilespmem:s0+$0xA030]  }
0x4b: {  	v9 =	vld [tilespmem:s0+$0xA040]  }
0x4c: {  	v10 =	vld [tilespmem:s0+$0xA050]  }
0x4d: {  	v11 =	vld [tilespmem:s0+$0xA060]  }
0x4e: {  	v12 =	vld [tilespmem:s0+$0xA070]  }
0x4f: {  	v13 =	vld [tilespmem:s0+$0xA080]  }
0x50: {  	v14 =	vld [tilespmem:s0+$0xA090]  }
0x51: {  	v1 =	vld [tilespmem:s0+$0xA0F0]  }
0x52: {  	v15 =	vld [tilespmem:s0+$0xA0A0]  }
0x53: {  	v7 =	vld [tilespmem:s0+$0xA0B0]  }
0x54: {  	v3 =	vld [tilespmem:s0+$0xA0C0]  }
0x55: {  	s30 =	simm.s32 $0x100;
	s1 =	sshll.u32 s1, $0xA;
	v0 =	vld [tilespmem:s0+$0xA0D0]  }
0x56: {  	v4 =	vld [tilespmem:s0+$0xA0E0];
	s0 =	sshra.s32 s1, $0x2;
	[tilespmem:s30+$0xF0] =	vst v1  }
0x57: {  	v1 =	vld [tilespmem:s0+$0xA000];
	[tilespmem:s30+$0x0] =	vst v2  }
0x58: {  	v2 =	vld [tilespmem:s0+$0xA010];
	[tilespmem:s30+$0x10] =	vst v5  }
0x59: {  	v5 =	vld [tilespmem:s0+$0xA020];
	[tilespmem:s30+$0x20] =	vst v6  }
0x5a: {  	v6 =	vld [tilespmem:s0+$0xA030];
	[tilespmem:s30+$0x30] =	vst v8  }
0x5b: {  	v8 =	vld [tilespmem:s0+$0xA040];
	[tilespmem:s30+$0x40] =	vst v9  }
0x5c: {  	v9 =	vld [tilespmem:s0+$0xA050];
	[tilespmem:s30+$0x50] =	vst v10  }
0x5d: {  	v10 =	vld [tilespmem:s0+$0xA060];
	[tilespmem:s30+$0x60] =	vst v11  }
0x5e: {  	v11 =	vld [tilespmem:s0+$0xA070];
	[tilespmem:s30+$0x70] =	vst v12  }
0x5f: {  	v12 =	vld [tilespmem:s0+$0xA080];
	[tilespmem:s30+$0x80] =	vst v13  }
0x60: {  	s29 =	sshll.u32 s28, $0x6;
	v13 =	vld [tilespmem:s0+$0xA090];
	[tilespmem:s30+$0x90] =	vst v14  }
0x61: {  	s4 =	simm.s32 $0x0;
	s31 =	sor.u32 s6, s29;
	s1 =	simm.s32 $0x3;
	v14 =	vld [tilespmem:s0+$0xA0A0];
	[tilespmem:s30+$0xA0] =	vst v15  }
.LBB2_3:
0x62: {  	s2 =	sld [smem:s1+$0x0];
	v15 =	vld [tilespmem:s0+$0xA0B0];
	[tilespmem:s30+$0xB0] =	vst v7  }
0x63: {  	s18 =	sld [smem:s1+$0xFFFFFFFF];
	v7 =	vld [tilespmem:s0+$0xA0C0];
	[tilespmem:s30+$0xC0] =	vst v3  }
0x64: {  	v3 =	vld [tilespmem:s0+$0xA0D0];
	[tilespmem:s30+$0xD0] =	vst v0  }
0x65: {  	s2 =	sshll.u32 s2, $0xA;
	v0 =	vld [tilespmem:s0+$0xA0E0];
	[tilespmem:s30+$0xE0] =	vst v4  }
0x66: {  	s18 =	sshll.u32 s18, $0xA;
	s2 =	sshra.s32 s2, $0x2;
	v4 =	vld [tilespmem:s0+$0xA0F0];
	[tilespmem:s30+$0xFFFFFF00] =	vst v1  }
0x67: {  	s0 =	sshra.s32 s18, $0x2;
	v16 =	vld [tilespmem:s2+$0xA000];
	[tilespmem:s30+$0xFFFFFF10] =	vst v2  }
0x68: {  	v17 =	vld [tilespmem:s2+$0xA010];
	[tilespmem:s30+$0xFFFFFF20] =	vst v5  }
0x69: {  	v18 =	vld [tilespmem:s2+$0xA020];
	[tilespmem:s30+$0xFFFFFF30] =	vst v6  }
0x6a: {  	v19 =	vld [tilespmem:s2+$0xA030];
	[tilespmem:s30+$0xFFFFFF40] =	vst v8  }
0x6b: {  	v20 =	vld [tilespmem:s2+$0xA040];
	[tilespmem:s30+$0xFFFFFF50] =	vst v9  }
0x6c: {  	s4 =	sadd.s32 $0x2, s4;
	v21 =	vld [tilespmem:s2+$0xA050];
	[tilespmem:s30+$0xFFFFFF60] =	vst v10  }
0x6d: {  	p3 =	slt.u32 s4, $0x4E;
	v22 =	vld [tilespmem:s2+$0xA060];
	[tilespmem:s30+$0xFFFFFF70] =	vst v11  }
0x6e: {  	v23 =	vld [tilespmem:s2+$0xA070];
	[tilespmem:s30+$0xFFFFFF80] =	vst v12  }
0x6f: {  	v24 =	vld [tilespmem:s2+$0xA080];
	[tilespmem:s30+$0xFFFFFF90] =	vst v13  }
0x70: {  	v25 =	vld [tilespmem:s2+$0xA090];
	[tilespmem:s30+$0xFFFFFFA0] =	vst v14  }
0x71: {  	v1 =	vld [tilespmem:s2+$0xA0F0];
	[tilespmem:s30+$0xFFFFFFB0] =	vst v15  }
0x72: {  	v15 =	vld [tilespmem:s2+$0xA0A0];
	[tilespmem:s30+$0xFFFFFFC0] =	vst v7  }
0x73: {  	v7 =	vld [tilespmem:s2+$0xA0B0];
	[tilespmem:s30+$0xFFFFFFD0] =	vst v3  }
0x74: {  	v3 =	vld [tilespmem:s2+$0xA0C0];
	[tilespmem:s30+$0xFFFFFFE0] =	vst v0  }
0x75: {  	v0 =	vld [tilespmem:s2+$0xA0D0];
	[tilespmem:s30+$0xFFFFFFF0] =	vst v4;
	s30 =	sadd.s32 $0x200, s30  }
0x76: {  	v4 =	vld [tilespmem:s2+$0xA0E0];
	[tilespmem:s30+$0xF0] =	vst v1  }
0x77: {  	v1 =	vld [tilespmem:s0+$0xA000];
	[tilespmem:s30+$0x0] =	vst v16  }
0x78: {  	v2 =	vld [tilespmem:s0+$0xA010];
	[tilespmem:s30+$0x10] =	vst v17  }
0x79: {  	v5 =	vld [tilespmem:s0+$0xA020];
	[tilespmem:s30+$0x20] =	vst v18  }
0x7a: {  	v6 =	vld [tilespmem:s0+$0xA030];
	[tilespmem:s30+$0x30] =	vst v19  }
0x7b: {  	v8 =	vld [tilespmem:s0+$0xA040];
	[tilespmem:s30+$0x40] =	vst v20  }
0x7c: {  	v9 =	vld [tilespmem:s0+$0xA050];
	[tilespmem:s30+$0x50] =	vst v21  }
.Ltmp4:
0x7d: {  	v10 =	vld [tilespmem:s0+$0xA060];
	[tilespmem:s30+$0x60] =	vst v22;
	(pc) =	sbr.rel @p3 .LBB2_3-.Ltmp4, $4  }
0x7e: {  	v11 =	vld [tilespmem:s0+$0xA070];
	[tilespmem:s30+$0x70] =	vst v23  }
0x7f: {  	v12 =	vld [tilespmem:s0+$0xA080];
	[tilespmem:s30+$0x80] =	vst v24  }
0x80: {  	v13 =	vld [tilespmem:s0+$0xA090];
	[tilespmem:s30+$0x90] =	vst v25  }
0x81: {  	s1 =	sadd.s32 $0x2, s1;
	v14 =	vld [tilespmem:s0+$0xA0A0];
	[tilespmem:s30+$0xA0] =	vst v15  }
0x82: {  	v15 =	vld [tilespmem:s0+$0xA0B0];
	[tilespmem:s30+$0xB0] =	vst v7  }
0x83: {  	v60 =	vld [tilespmem:s0+$0xA0C0];
	[tilespmem:s30+$0xC0] =	vst v3  }
0x84: {  	v61 =	vld [tilespmem:s0+$0xA0D0];
	[tilespmem:s30+$0xD0] =	vst v0  }
0x85: {  	v62 =	vld [tilespmem:s0+$0xA0E0];
	[tilespmem:s30+$0xE0] =	vst v4  }
0x86: {  	v63 =	vld [tilespmem:s0+$0xA0F0];
	[tilespmem:s30+$0xFFFFFF00] =	vst v1  }
0x87: {  	[tilespmem:s30+$0xFFFFFF10] =	vst v2  }
0x88: {  	[tilespmem:s30+$0xFFFFFF20] =	vst v5  }
0x89: {  	[tilespmem:s30+$0xFFFFFF30] =	vst v6  }
0x8a: {  	[tilespmem:s30+$0xFFFFFF40] =	vst v8  }
0x8b: {  	[tilespmem:s30+$0xFFFFFF50] =	vst v9  }
0x8c: {  	[tilespmem:s30+$0xFFFFFF60] =	vst v10  }
0x8d: {  	[tilespmem:s30+$0xFFFFFF70] =	vst v11  }
0x8e: {  	[tilespmem:s30+$0xFFFFFF80] =	vst v12  }
0x8f: {  	[tilespmem:s30+$0xFFFFFF90] =	vst v13  }
0x90: {  	[tilespmem:s30+$0xFFFFFFA0] =	vst v14  }
0x91: {  	[tilespmem:s30+$0xFFFFFFB0] =	vst v15  }
0x92: {  	[tilespmem:s30+$0xFFFFFFC0] =	vst v60  }
0x93: {  	s18 =	smul.u32 $0xA00, s31;
	s1 =	sadd.s32 s14, s29;
	[tilespmem:s30+$0xFFFFFFD0] =	vst v61  }
0x94: {  	p3 =	sgt.u32 s1, $0x4E1;
	[tilespmem:s30+$0xFFFFFFE0] =	vst v62  }
0x95: {  	s0 =	sadd.s32 s7, s18;
	s1 =	smul.u32 @!p3 $0x140, s1;
	[tilespmem:s30+$0xFFFFFFF0] =	vst v63  }
0x96: {  	[hbm4b:s0+s5] =	stream.linear.scatter [tilespmem:s5], [sflag:$0x3], $0x5000, $0x38;
	[tilespmem:$0x158F0] =	vst v63  }
0x97: {  	s0 =	sshra.s32 @!p3 s1, $0x2  }
0x98: {  	s30 =	sor.u32 $0x20, s31;
	s1 =	simm.s32 @!p3 $0x0;
	s0 =	sadd.s32 @!p3 s0, s3  }
0x99: {  	[smem:s1], [sflag:$0x1] =	stream.linear.gather @!p3 [spmem:s0], $0x50, $0x38;
	[tilespmem:$0x158F0] =	vst v63  }
0x9a: {  	p3 =	sgt.u32 s30, $0x4E1  }
.Ltmp5:
0x9b: {  	_ = 	snop;
	(pc) =	sbr.rel @p3 .LBB2_8-.Ltmp5, $1  }
0x9c: {  	_ =	sdelay $0x3  }
0x9d: {  	_ =	swait.ge [sflag:s22], $0x50  }
0x9e: {  	[sflag:s22] =	ssyncset.done $0x0  }
0x9f: {  	s0 =	simm.s32 @!p2 $0x4;
	[sflag:s22] =	ssyncadd.s32 $0xFFFFFFB0  }
0xa0: {  	_ =	swait.ge @!p2 [sflag:s0], $0x5000  }
0xa1: {  	[sflag:s0] =	ssyncset.done @!p2 $0x0  }
0xa2: {  	[sflag:s0] =	ssyncadd.s32 @!p2 $0xFFFFB000  }
0xa3: {  	s0 =	sld [smem:$0x81];
	_ =	sdelay $0x2  }
0xa4: {  	s0 =	sshll.u32 s0, $0xA  }
0xa5: {  	s0 =	sshra.s32 s0, $0x2  }
0xa6: {  	s1 =	sld [smem:$0x80];
	v2 =	vld [tilespmem:s0+$0xA000]  }
0xa7: {  	v5 =	vld [tilespmem:s0+$0xA010]  }
0xa8: {  	v6 =	vld [tilespmem:s0+$0xA020]  }
0xa9: {  	v8 =	vld [tilespmem:s0+$0xA030]  }
0xaa: {  	v9 =	vld [tilespmem:s0+$0xA040]  }
0xab: {  	v10 =	vld [tilespmem:s0+$0xA050]  }
0xac: {  	v11 =	vld [tilespmem:s0+$0xA060]  }
0xad: {  	v12 =	vld [tilespmem:s0+$0xA070]  }
0xae: {  	v13 =	vld [tilespmem:s0+$0xA080]  }
0xaf: {  	v14 =	vld [tilespmem:s0+$0xA090]  }
0xb0: {  	v1 =	vld [tilespmem:s0+$0xA0F0]  }
0xb1: {  	v15 =	vld [tilespmem:s0+$0xA0A0]  }
0xb2: {  	v7 =	vld [tilespmem:s0+$0xA0B0]  }
0xb3: {  	v3 =	vld [tilespmem:s0+$0xA0C0]  }
0xb4: {  	s31 =	simm.s32 $0x5100;
	s1 =	sshll.u32 s1, $0xA;
	v0 =	vld [tilespmem:s0+$0xA0D0]  }
0xb5: {  	v4 =	vld [tilespmem:s0+$0xA0E0];
	s0 =	sshra.s32 s1, $0x2;
	[tilespmem:s31+$0xF0] =	vst v1  }
0xb6: {  	v1 =	vld [tilespmem:s0+$0xA000];
	[tilespmem:s31+$0x0] =	vst v2  }
0xb7: {  	v2 =	vld [tilespmem:s0+$0xA010];
	[tilespmem:s31+$0x10] =	vst v5  }
0xb8: {  	v5 =	vld [tilespmem:s0+$0xA020];
	[tilespmem:s31+$0x20] =	vst v6  }
0xb9: {  	v6 =	vld [tilespmem:s0+$0xA030];
	[tilespmem:s31+$0x30] =	vst v8  }
0xba: {  	v8 =	vld [tilespmem:s0+$0xA040];
	[tilespmem:s31+$0x40] =	vst v9  }
0xbb: {  	v9 =	vld [tilespmem:s0+$0xA050];
	[tilespmem:s31+$0x50] =	vst v10  }
0xbc: {  	v10 =	vld [tilespmem:s0+$0xA060];
	[tilespmem:s31+$0x60] =	vst v11  }
0xbd: {  	v11 =	vld [tilespmem:s0+$0xA070];
	[tilespmem:s31+$0x70] =	vst v12  }
0xbe: {  	v12 =	vld [tilespmem:s0+$0xA080];
	[tilespmem:s31+$0x80] =	vst v13  }
0xbf: {  	v13 =	vld [tilespmem:s0+$0xA090];
	[tilespmem:s31+$0x90] =	vst v14  }
0xc0: {  	s4 =	simm.s32 $0x0;
	s1 =	simm.s32 $0x83;
	v14 =	vld [tilespmem:s0+$0xA0A0];
	[tilespmem:s31+$0xA0] =	vst v15  }
.LBB2_6:
0xc1: {  	s2 =	sld [smem:s1+$0x0];
	v15 =	vld [tilespmem:s0+$0xA0B0];
	[tilespmem:s31+$0xB0] =	vst v7  }
0xc2: {  	s18 =	sld [smem:s1+$0xFFFFFFFF];
	v7 =	vld [tilespmem:s0+$0xA0C0];
	[tilespmem:s31+$0xC0] =	vst v3  }
0xc3: {  	v3 =	vld [tilespmem:s0+$0xA0D0];
	[tilespmem:s31+$0xD0] =	vst v0  }
0xc4: {  	s2 =	sshll.u32 s2, $0xA;
	v0 =	vld [tilespmem:s0+$0xA0E0];
	[tilespmem:s31+$0xE0] =	vst v4  }
0xc5: {  	s18 =	sshll.u32 s18, $0xA;
	s2 =	sshra.s32 s2, $0x2;
	v4 =	vld [tilespmem:s0+$0xA0F0];
	[tilespmem:s31+$0xFFFFFF00] =	vst v1  }
0xc6: {  	s0 =	sshra.s32 s18, $0x2;
	v16 =	vld [tilespmem:s2+$0xA000];
	[tilespmem:s31+$0xFFFFFF10] =	vst v2  }
0xc7: {  	v17 =	vld [tilespmem:s2+$0xA010];
	[tilespmem:s31+$0xFFFFFF20] =	vst v5  }
0xc8: {  	v18 =	vld [tilespmem:s2+$0xA020];
	[tilespmem:s31+$0xFFFFFF30] =	vst v6  }
0xc9: {  	v19 =	vld [tilespmem:s2+$0xA030];
	[tilespmem:s31+$0xFFFFFF40] =	vst v8  }
0xca: {  	v20 =	vld [tilespmem:s2+$0xA040];
	[tilespmem:s31+$0xFFFFFF50] =	vst v9  }
0xcb: {  	s4 =	sadd.s32 $0x2, s4;
	v21 =	vld [tilespmem:s2+$0xA050];
	[tilespmem:s31+$0xFFFFFF60] =	vst v10  }
0xcc: {  	p2 =	slt.u32 s4, $0x4E;
	v22 =	vld [tilespmem:s2+$0xA060];
	[tilespmem:s31+$0xFFFFFF70] =	vst v11  }
0xcd: {  	v23 =	vld [tilespmem:s2+$0xA070];
	[tilespmem:s31+$0xFFFFFF80] =	vst v12  }
0xce: {  	v24 =	vld [tilespmem:s2+$0xA080];
	[tilespmem:s31+$0xFFFFFF90] =	vst v13  }
0xcf: {  	v25 =	vld [tilespmem:s2+$0xA090];
	[tilespmem:s31+$0xFFFFFFA0] =	vst v14  }
0xd0: {  	v1 =	vld [tilespmem:s2+$0xA0F0];
	[tilespmem:s31+$0xFFFFFFB0] =	vst v15  }
0xd1: {  	v15 =	vld [tilespmem:s2+$0xA0A0];
	[tilespmem:s31+$0xFFFFFFC0] =	vst v7  }
0xd2: {  	v7 =	vld [tilespmem:s2+$0xA0B0];
	[tilespmem:s31+$0xFFFFFFD0] =	vst v3  }
0xd3: {  	v3 =	vld [tilespmem:s2+$0xA0C0];
	[tilespmem:s31+$0xFFFFFFE0] =	vst v0  }
0xd4: {  	v0 =	vld [tilespmem:s2+$0xA0D0];
	[tilespmem:s31+$0xFFFFFFF0] =	vst v4;
	s31 =	sadd.s32 $0x200, s31  }
0xd5: {  	v4 =	vld [tilespmem:s2+$0xA0E0];
	[tilespmem:s31+$0xF0] =	vst v1  }
0xd6: {  	v1 =	vld [tilespmem:s0+$0xA000];
	[tilespmem:s31+$0x0] =	vst v16  }
0xd7: {  	v2 =	vld [tilespmem:s0+$0xA010];
	[tilespmem:s31+$0x10] =	vst v17  }
0xd8: {  	v5 =	vld [tilespmem:s0+$0xA020];
	[tilespmem:s31+$0x20] =	vst v18  }
0xd9: {  	v6 =	vld [tilespmem:s0+$0xA030];
	[tilespmem:s31+$0x30] =	vst v19  }
0xda: {  	v8 =	vld [tilespmem:s0+$0xA040];
	[tilespmem:s31+$0x40] =	vst v20  }
0xdb: {  	v9 =	vld [tilespmem:s0+$0xA050];
	[tilespmem:s31+$0x50] =	vst v21  }
.Ltmp6:
0xdc: {  	v10 =	vld [tilespmem:s0+$0xA060];
	[tilespmem:s31+$0x60] =	vst v22;
	(pc) =	sbr.rel @p2 .LBB2_6-.Ltmp6, $4  }
0xdd: {  	v11 =	vld [tilespmem:s0+$0xA070];
	[tilespmem:s31+$0x70] =	vst v23  }
0xde: {  	v12 =	vld [tilespmem:s0+$0xA080];
	[tilespmem:s31+$0x80] =	vst v24  }
0xdf: {  	v13 =	vld [tilespmem:s0+$0xA090];
	[tilespmem:s31+$0x90] =	vst v25  }
0xe0: {  	s1 =	sadd.s32 $0x2, s1;
	v14 =	vld [tilespmem:s0+$0xA0A0];
	[tilespmem:s31+$0xA0] =	vst v15  }
0xe1: {  	v15 =	vld [tilespmem:s0+$0xA0B0];
	[tilespmem:s31+$0xB0] =	vst v7  }
0xe2: {  	v60 =	vld [tilespmem:s0+$0xA0C0];
	[tilespmem:s31+$0xC0] =	vst v3  }
0xe3: {  	v61 =	vld [tilespmem:s0+$0xA0D0];
	[tilespmem:s31+$0xD0] =	vst v0  }
0xe4: {  	v62 =	vld [tilespmem:s0+$0xA0E0];
	[tilespmem:s31+$0xE0] =	vst v4  }
0xe5: {  	v63 =	vld [tilespmem:s0+$0xA0F0];
	[tilespmem:s31+$0xFFFFFF00] =	vst v1  }
0xe6: {  	[tilespmem:s31+$0xFFFFFF10] =	vst v2  }
0xe7: {  	[tilespmem:s31+$0xFFFFFF20] =	vst v5  }
0xe8: {  	[tilespmem:s31+$0xFFFFFF30] =	vst v6  }
0xe9: {  	[tilespmem:s31+$0xFFFFFF40] =	vst v8  }
0xea: {  	[tilespmem:s31+$0xFFFFFF50] =	vst v9  }
0xeb: {  	[tilespmem:s31+$0xFFFFFF60] =	vst v10  }
0xec: {  	[tilespmem:s31+$0xFFFFFF70] =	vst v11  }
0xed: {  	[tilespmem:s31+$0xFFFFFF80] =	vst v12  }
0xee: {  	[tilespmem:s31+$0xFFFFFF90] =	vst v13  }
0xef: {  	[tilespmem:s31+$0xFFFFFFA0] =	vst v14  }
0xf0: {  	[tilespmem:s31+$0xFFFFFFB0] =	vst v15  }
0xf1: {  	s1 =	sadd.s32 s15, s29;
	[tilespmem:s31+$0xFFFFFFC0] =	vst v60  }
0xf2: {  	s30 =	smul.u32 $0xA00, s30;
	p2 =	sgt.u32 s1, $0x4E1;
	[tilespmem:s31+$0xFFFFFFD0] =	vst v61  }
0xf3: {  	s1 =	smul.u32 @!p2 $0x140, s1;
	[tilespmem:s31+$0xFFFFFFE0] =	vst v62  }
.Ltmp7:
0xf4: {  	s0 =	sadd.s32 s7, s30;
	[tilespmem:s31+$0xFFFFFFF0] =	vst v63;
	(pc) =	sbr.rel .LBB2_8-.Ltmp7, $4  }
0xf5: {  	[hbm4b:s0+s5] =	stream.linear.scatter [tilespmem:s23], [sflag:$0x4], $0x5000, $0x38;
	[tilespmem:$0x158F0] =	vst v63  }
0xf6: {  	s0 =	sshra.s32 @!p2 s1, $0x2  }
0xf7: {  	s1 =	simm.s32 @!p2 $0x80;
	s0 =	sadd.s32 @!p2 s0, s3  }
0xf8: {  	[smem:s1], [sflag:$0x2] =	stream.linear.gather @!p2 [spmem:s0], $0x50, $0x38;
	[tilespmem:$0x158F0] =	vst v63  }
.LBB2_10:
0xf9: {  	_ =	sfence.sel $0x180000  }
0xfa: {  	[bflag:$0x0] =	sbarrier.arrive $0xFFFF  }
0xfb: {  	_ =	strace $0x90000047  }
0xfc: {  	s0 =	stileid.u32;
	[bflag:$0x2] =	sbarrier.arrive $0xFFFF  }
0xfd: {  	p0 =	sne.s32 s0, $0x0;
	s0 =	rddreg [dreg:$0x5]  }
0xfe: {  	s0 =	sadd.s32 @!p0 $0x100000, s0  }
0xff: {  	[sflag:s0] =	ssyncadd.tile.s32 @!p0 $0x1;
	_ =	shalt  }
.Lfunc_end2:
_tile_overlayer_lowered:
.L_overlay_start_2:
0x100: {  	(tag) =	ssettag $0x2  }
0x101: {  	s0 =	rddreg [dreg:$0x0];
	s2 =	stileid.u32  }
0x102: {  	s1 =	rddreg [dreg:$0x1];
	p0 =	sne.s32 s2, $0x0  }
0x103: {  	s3 =	rddreg [dreg:$0x2];
	[bflag:$0x3] =	sbarrier.arrive $0xFFFF;
	s2 =	simm.s32 @!p0 $0x1C05  }
0x104: {  	[timem:s3], [sflag:s2] =	dma.local @!p0 [hbm:s0], s1  }
0x105: {  	s0 =	simm.s32 @!p0 $0x5  }
0x106: {  	_ =	swait.ge @!p0 [sflag:s0], s1  }
0x107: {  	s1 =	ssub.s32 @!p0 $0x0, s1;
	[sflag:s0] =	ssyncset.done @!p0 $0x0  }
0x108: {  	[sflag:s0] =	ssyncadd.s32 @!p0 s1  }
0x109: {  	[bflag:$0x3] =	sbarrier.arrive $0xFFFF  }
0x10a: {  	_ =	shalt  }

</sc_bundles>
